<compile_context>
chip_gen: v7x
topology: tpu7x:2x2x1
jax: 0.10.2.dev20260603
libtpu: 0.0.44.dev20260713+nightly
codegen_flags: <defaults>
</compile_context>

<pallas_src>
import jax
import jax.numpy as jnp
from jax import lax
from jax.experimental import pallas as pl
from jax.experimental.pallas import tpu as pltpu
from jax.experimental.pallas import tpu_sc as plsc

N = 10000
D = 128
G = 64
ING = 128
H = 256
OUT = 128

NC = 1
NS = 16
NW = NC * NS
SLICE = 128
SLICES_PER_W = 2
HEAD_SLICES = 46
HEAD = HEAD_SLICES * SLICE
N_SC = NW * SLICES_PER_W * SLICE
N_MAIN = HEAD + N_SC
N_TAIL = N - N_MAIN


def _sc_seg_sum(x_hbm, batch_hbm, out_hbm, idx0, idx1, rows_v, zero_v,
                shared, sem0, sem1):
    c = lax.axis_index("c")
    s = lax.axis_index("s")
    w = s * NC + c

    t = HEAD_SLICES + w * SLICES_PER_W
    ld0 = pltpu.async_copy(x_hbm.at[pl.ds(t * SLICE, SLICE)],
                           rows_v.at[pl.ds(0, SLICE)], sem0)
    ld1 = pltpu.async_copy(x_hbm.at[pl.ds((t + 1) * SLICE, SLICE)],
                           rows_v.at[pl.ds(SLICE, SLICE)], sem1)
    pltpu.sync_copy(batch_hbm.at[pl.ds(t * SLICE, SLICE)], idx0)
    pltpu.sync_copy(batch_hbm.at[pl.ds((t + 1) * SLICE, SLICE)], idx1)

    @pl.when(s < G // 8)
    def _zero():
        for r in range(8):
            for k in range(D // 16):
                zero_v[r, pl.ds(k * 16, 16)] = jnp.zeros((16,), jnp.float32)
        pltpu.sync_copy(zero_v, shared.at[pl.ds(pl.multiple_of(s * 8, 8), 8)])

    plsc.subcore_barrier()

    ld0.wait()
    pltpu.sync_copy(rows_v.at[pl.ds(0, SLICE)], shared.at[idx0], add=True)
    ld1.wait()
    pltpu.sync_copy(rows_v.at[pl.ds(SLICE, SLICE)], shared.at[idx1], add=True)

    plsc.subcore_barrier()

    @pl.when(s == 0)
    def _publish():
        pltpu.sync_copy(shared, out_hbm.at[c])


_sc_call = pl.kernel(
    _sc_seg_sum,
    out_type=jax.ShapeDtypeStruct((NC, G, D), jnp.float32),
    mesh=plsc.VectorSubcoreMesh(core_axis_name="c", subcore_axis_name="s",
                                num_cores=NC, num_subcores=NS),
    scratch_types=[
        pltpu.VMEM((SLICE,), jnp.int32),
        pltpu.VMEM((SLICE,), jnp.int32),
        pltpu.VMEM((SLICES_PER_W * SLICE, D), jnp.float32),
        pltpu.VMEM((8, D), jnp.float32),
        pltpu.VMEM_SHARED((G, D), jnp.float32),
        pltpu.SemaphoreType.DMA,
        pltpu.SemaphoreType.DMA,
    ],
)


def _tc_partial(xh_ref, xtail_ref, batch_ref, part_ref, cnt_ref):
    batch = batch_ref[0, :]
    seg_ids = jax.lax.broadcasted_iota(jnp.int32, (G, N), 0)
    onehot = (batch[None, :] == seg_ids).astype(jnp.float32)
    cnt_ref[...] = jnp.sum(onehot, axis=1, keepdims=True) * jnp.ones(
        (1, D), jnp.float32)
    part = jnp.dot(onehot[:, :HEAD], xh_ref[...],
                   preferred_element_type=jnp.float32)
    part_ref[...] = part + jnp.dot(onehot[:, N_MAIN:], xtail_ref[...],
                                   preferred_element_type=jnp.float32)


def _tc_finish(sc_ref, tcp_ref, cnt_ref, u_ref, w1_ref, b1_ref,
               w2_ref, b2_ref, w3_ref, b3_ref, out_ref):
    seg_sum = jnp.sum(sc_ref[...], axis=0) + tcp_ref[...]
    seg_mean = seg_sum / jnp.maximum(cnt_ref[...], 1.0)
    cat = jnp.concatenate([u_ref[...], seg_mean], axis=1)
    h = jnp.dot(cat, w1_ref[...], preferred_element_type=jnp.float32)
    h = jnp.maximum(h + b1_ref[...], 0.0)
    h = jnp.dot(h, w2_ref[...], preferred_element_type=jnp.float32)
    h = jnp.maximum(h + b2_ref[...], 0.0)
    h = jnp.dot(h, w3_ref[...], preferred_element_type=jnp.float32)
    out_ref[...] = h + b3_ref[...]


def kernel(x, edge_index, u, batch, W1, b1, W2, b2, W3, b3):
    del edge_index
    sc_part = _sc_call(x, batch)
    tc_part, cnt = pl.pallas_call(
        _tc_partial,
        grid=(1,),
        in_specs=[
            pl.BlockSpec((HEAD, D), lambda i: (0, 0)),
            pl.BlockSpec((N_TAIL, D), lambda i: (0, 0)),
            pl.BlockSpec((1, N), lambda i: (0, 0)),
        ],
        out_specs=[
            pl.BlockSpec((G, D), lambda i: (0, 0)),
            pl.BlockSpec((G, D), lambda i: (0, 0)),
        ],
        out_shape=[
            jax.ShapeDtypeStruct((G, D), jnp.float32),
            jax.ShapeDtypeStruct((G, D), jnp.float32),
        ],
    )(x, x[N_MAIN:], batch.reshape(1, N))
    args = (sc_part, tc_part, cnt, u, W1.T, b1.reshape(1, H), W2.T,
            b2.reshape(1, H), W3.T, b3.reshape(1, OUT))
    return pl.pallas_call(
        _tc_finish,
        out_shape=jax.ShapeDtypeStruct((G, OUT), jnp.float32),
    )(*args)

# --- scband reference (transcript-rebuilt; emitter-appended) ---
"""Pipeline reference for scband-global-net-25134148616721 (READ-ONLY COPY).

The authoritative reference and input builder live on the scoring server;
editing this copy changes nothing except your own understanding.
"""

import jax, jax.numpy as jnp
import numpy as np

N = 10000
E = 320000
D = 128
G = 64
ING = 128
H = 256
OUT = 128


def setup_inputs(seed: int = 0) -> dict:
    key = jax.random.key(seed)
    ks = jax.random.split(key, 10)
    x = jax.random.normal(ks[0], (N, D), dtype=jnp.float32)
    edge_index = jax.random.randint(ks[1], (2, E), 0, N, dtype=jnp.int32)
    u = jax.random.normal(ks[2], (G, ING), dtype=jnp.float32)
    batch = jnp.sort(jax.random.randint(ks[3], (N,), 0, G, dtype=jnp.int32))
    # MLP params (torch Linear convention: y = x @ W.T + b)
    W1 = jax.random.normal(ks[4], (H, D + ING), dtype=jnp.float32) * 0.05
    b1 = jnp.zeros((H,), dtype=jnp.float32)
    W2 = jax.random.normal(ks[5], (H, H), dtype=jnp.float32) * 0.05
    b2 = jnp.zeros((H,), dtype=jnp.float32)
    W3 = jax.random.normal(ks[6], (OUT, H), dtype=jnp.float32) * 0.05
    b3 = jnp.zeros((OUT,), dtype=jnp.float32)
    return {"x": x, "edge_index": edge_index, "u": u, "batch": batch,
            "W1": W1, "b1": b1, "W2": W2, "b2": b2, "W3": W3, "b3": b3}


def reference(x, edge_index, u, batch, W1, b1, W2, b2, W3, b3):
    # scatter(x, batch, reduce='mean') over G graphs
    num_segments = u.shape[0]
    seg_sum = jax.ops.segment_sum(x, batch, num_segments=num_segments)
    cnt = jax.ops.segment_sum(jnp.ones((x.shape[0], 1), dtype=x.dtype), batch,
                              num_segments=num_segments)
    seg_mean = seg_sum / jnp.maximum(cnt, 1.0)
    out = jnp.concatenate([u, seg_mean], axis=1)
    # global_mlp: Linear -> ReLU -> Linear -> ReLU -> Linear
    h = jax.nn.relu(out @ W1.T + b1)
    h = jax.nn.relu(h @ W2.T + b2)
    return h @ W3.T + b3

if __name__ == "__main__":
    import jax
    _d = setup_inputs()
    print(jax.jit(kernel)(*tuple(_d.values())))

</pallas_src>

<mosaic_0001>
#map = affine_map<(d0, d1) -> (0, 0)>
#map1 = affine_map<(d0, d1) -> (0)>
#map2 = affine_map<(d0, d1) -> (0, 0, 0)>
module attributes {stable_mosaic.version = 14 : i64} {
  func.func @_sc_seg_sum(%arg0: i32, %arg1: i32, %arg2: memref<10000x128xf32, #tpu.memory_space<hbm>>, %arg3: memref<10000xi32, #tpu.memory_space<hbm>>, %arg4: memref<1x64x128xf32, #tpu.memory_space<hbm>>, %arg5: memref<128xi32, #tpu.memory_space<vmem>>, %arg6: memref<128xi32, #tpu.memory_space<vmem>>, %arg7: memref<256x128xf32, #tpu.memory_space<vmem>>, %arg8: memref<8x128xf32, #tpu.memory_space<vmem>>, %arg9: memref<64x128xf32, #tpu.memory_space<vmem_shared>>, %arg10: memref<!tpu.dma_semaphore, #tpu.memory_space<semaphore_mem>>, %arg11: memref<!tpu.dma_semaphore, #tpu.memory_space<semaphore_mem>>) attributes {dimension_semantics = [#tpu.dimension_semantics<core_parallel>, #tpu.dimension_semantics<subcore_parallel>], iteration_bounds = array<i64: 1, 16>, scalar_prefetch = 0 : i64, scratch_operands = 7 : i64, tpu.core_type = #tpu.core_type<sc_vector_subcore>, window_params = [{transform_indices = #map}, {transform_indices = #map1}, {transform_indices = #map2}]} {
    %mul3A = arith.constant 1 : i32
    %mul3A_0 = arith.muli %arg1, %mul3A : i32
    %add3A = arith.addi %mul3A_0, %arg0 : i32
    %mul3A_1 = arith.constant 2 : i32
    %mul3A_2 = arith.muli %add3A, %mul3A_1 : i32
    %add3A_3 = arith.constant 46 : i32
    %add3A_4 = arith.addi %add3A_3, %mul3A_2 : i32
    %mul3A_5 = arith.constant 128 : i32
    %mul3A_6 = arith.muli %add3A_4, %mul3A_5 : i32
    %dma_start3A = arith.constant 0 : i32
    %dma_start3A_7 = arith.constant 0 : i32
    %dma_start3A_8 = tpu.memref_slice %arg7[%dma_start3A, %dma_start3A_7] : memref<256x128xf32, #tpu.memory_space<vmem>> -> memref<128x128xf32, #tpu.memory_space<vmem>>
    %dma_start3A_9 = arith.constant 0 : i32
    %dma_start3A_10 = tpu.memref_slice %arg2[%mul3A_6, %dma_start3A_9] : memref<10000x128xf32, #tpu.memory_space<hbm>> -> memref<128x128xf32, #tpu.memory_space<hbm>>
    %dma_start3A_11 = arith.constant 0 : i32
    %dma_start3A_12 = arith.constant 0 : i32
    %dma_start3A_13 = tpu.memref_slice %arg7[%dma_start3A_11, %dma_start3A_12] : memref<256x128xf32, #tpu.memory_space<vmem>> -> memref<128x128xf32, #tpu.memory_space<vmem>>
    %dma_start3A_14 = arith.constant 0 : i32
    %dma_start3A_15 = tpu.memref_slice %arg2[%mul3A_6, %dma_start3A_14] : memref<10000x128xf32, #tpu.memory_space<hbm>> -> memref<128x128xf32, #tpu.memory_space<hbm>>
    tpu.enqueue_dma source(%dma_start3A_15 : memref<128x128xf32, #tpu.memory_space<hbm>>) target(%dma_start3A_13 : memref<128x128xf32, #tpu.memory_space<vmem>>) target_semaphore(%arg10 : memref<!tpu.dma_semaphore, #tpu.memory_space<semaphore_mem>>)
    %add3A_16 = arith.constant 1 : i32
    %add3A_17 = arith.addi %add3A_4, %add3A_16 : i32
    %mul3A_18 = arith.constant 128 : i32
    %mul3A_19 = arith.muli %add3A_17, %mul3A_18 : i32
    %dma_start3A_20 = arith.constant 128 : i32
    %dma_start3A_21 = arith.constant 0 : i32
    %dma_start3A_22 = tpu.memref_slice %arg7[%dma_start3A_20, %dma_start3A_21] : memref<256x128xf32, #tpu.memory_space<vmem>> -> memref<128x128xf32, #tpu.memory_space<vmem>>
    %dma_start3A_23 = arith.constant 0 : i32
    %dma_start3A_24 = tpu.memref_slice %arg2[%mul3A_19, %dma_start3A_23] : memref<10000x128xf32, #tpu.memory_space<hbm>> -> memref<128x128xf32, #tpu.memory_space<hbm>>
    %dma_start3A_25 = arith.constant 128 : i32
    %dma_start3A_26 = arith.constant 0 : i32
    %dma_start3A_27 = tpu.memref_slice %arg7[%dma_start3A_25, %dma_start3A_26] : memref<256x128xf32, #tpu.memory_space<vmem>> -> memref<128x128xf32, #tpu.memory_space<vmem>>
    %dma_start3A_28 = arith.constant 0 : i32
    %dma_start3A_29 = tpu.memref_slice %arg2[%mul3A_19, %dma_start3A_28] : memref<10000x128xf32, #tpu.memory_space<hbm>> -> memref<128x128xf32, #tpu.memory_space<hbm>>
    tpu.enqueue_dma source(%dma_start3A_29 : memref<128x128xf32, #tpu.memory_space<hbm>>) target(%dma_start3A_27 : memref<128x128xf32, #tpu.memory_space<vmem>>) target_semaphore(%arg11 : memref<!tpu.dma_semaphore, #tpu.memory_space<semaphore_mem>>)
    %mul3A_30 = arith.constant 128 : i32
    %mul3A_31 = arith.muli %add3A_4, %mul3A_30 : i32
    "tpu.region"() ({
      %run_scoped3A = tpu.sem_alloc : memref<!tpu.dma_semaphore, #tpu.memory_space<semaphore_mem>>
      %dma_start3A_62 = tpu.memref_slice %arg3[%mul3A_31] : memref<10000xi32, #tpu.memory_space<hbm>> -> memref<128xi32, #tpu.memory_space<hbm>>
      %dma_start3A_63 = tpu.memref_slice %arg3[%mul3A_31] : memref<10000xi32, #tpu.memory_space<hbm>> -> memref<128xi32, #tpu.memory_space<hbm>>
      tpu.enqueue_dma source(%dma_start3A_63 : memref<128xi32, #tpu.memory_space<hbm>>) target(%arg5 : memref<128xi32, #tpu.memory_space<vmem>>) target_semaphore(%run_scoped3A : memref<!tpu.dma_semaphore, #tpu.memory_space<semaphore_mem>>)
      %dma_wait3A_64 = tpu.memref_slice %arg3[%mul3A_31] : memref<10000xi32, #tpu.memory_space<hbm>> -> memref<128xi32, #tpu.memory_space<hbm>>
      %dma_wait3A_65 = tpu.memref_slice %arg3[%mul3A_31] : memref<10000xi32, #tpu.memory_space<hbm>> -> memref<128xi32, #tpu.memory_space<hbm>>
      tpu.wait_dma2 semaphore(%run_scoped3A : memref<!tpu.dma_semaphore, #tpu.memory_space<semaphore_mem>>) src(%dma_wait3A_65 : memref<128xi32, #tpu.memory_space<hbm>>) dst(%arg5 : memref<128xi32, #tpu.memory_space<vmem>>)
      tpu.yield
    }) : () -> ()
    %add3A_32 = arith.constant 1 : i32
    %add3A_33 = arith.addi %add3A_4, %add3A_32 : i32
    %mul3A_34 = arith.constant 128 : i32
    %mul3A_35 = arith.muli %add3A_33, %mul3A_34 : i32
    "tpu.region"() ({
      %run_scoped3A = tpu.sem_alloc : memref<!tpu.dma_semaphore, #tpu.memory_space<semaphore_mem>>
      %dma_start3A_62 = tpu.memref_slice %arg3[%mul3A_35] : memref<10000xi32, #tpu.memory_space<hbm>> -> memref<128xi32, #tpu.memory_space<hbm>>
      %dma_start3A_63 = tpu.memref_slice %arg3[%mul3A_35] : memref<10000xi32, #tpu.memory_space<hbm>> -> memref<128xi32, #tpu.memory_space<hbm>>
      tpu.enqueue_dma source(%dma_start3A_63 : memref<128xi32, #tpu.memory_space<hbm>>) target(%arg6 : memref<128xi32, #tpu.memory_space<vmem>>) target_semaphore(%run_scoped3A : memref<!tpu.dma_semaphore, #tpu.memory_space<semaphore_mem>>)
      %dma_wait3A_64 = tpu.memref_slice %arg3[%mul3A_35] : memref<10000xi32, #tpu.memory_space<hbm>> -> memref<128xi32, #tpu.memory_space<hbm>>
      %dma_wait3A_65 = tpu.memref_slice %arg3[%mul3A_35] : memref<10000xi32, #tpu.memory_space<hbm>> -> memref<128xi32, #tpu.memory_space<hbm>>
      tpu.wait_dma2 semaphore(%run_scoped3A : memref<!tpu.dma_semaphore, #tpu.memory_space<semaphore_mem>>) src(%dma_wait3A_65 : memref<128xi32, #tpu.memory_space<hbm>>) dst(%arg6 : memref<128xi32, #tpu.memory_space<vmem>>)
      tpu.yield
    }) : () -> ()
    %lt3A = arith.constant 8 : i32
    %lt3A_36 = arith.cmpi slt, %arg1, %lt3A : i32
    %convert_element_type3A = arith.extui %lt3A_36 : i1 to i32
    %cond3A = arith.constant 0 : i32
    %cond3A_37 = arith.cmpi ne, %convert_element_type3A, %cond3A : i32
    scf.if %cond3A_37 {
      %broadcast_in_dim3A = arith.constant 0.000000e+00 : f32
      %broadcast_in_dim3A_62 = vector.broadcast %broadcast_in_dim3A : f32 to vector<16xf32>
      %swap3A = arith.constant 0 : i32
      %swap3A_63 = arith.index_cast %swap3A : i32 to index
      %swap3A_64 = arith.constant 0 : index
      %swap3A_65 = tpu.vector_load %arg8[%swap3A_63, %swap3A_64] {strides = array<i32>} : memref<8x128xf32, #tpu.memory_space<vmem>>, vector<1x16xf32>,
      %swap3A_66 = vector.shape_cast %swap3A_65 : vector<1x16xf32> to vector<16xf32>
      %swap3A_67 = vector.shape_cast %broadcast_in_dim3A_62 : vector<16xf32> to vector<1x16xf32>
      tpu.vector_store %arg8[%swap3A_63, %swap3A_64], %swap3A_67 {strides = array<i32>} : memref<8x128xf32, #tpu.memory_space<vmem>>, vector<1x16xf32>,
      %broadcast_in_dim3A_68 = arith.constant 0.000000e+00 : f32
      %broadcast_in_dim3A_69 = vector.broadcast %broadcast_in_dim3A_68 : f32 to vector<16xf32>
      %swap3A_70 = arith.constant 0 : i32
      %swap3A_71 = arith.index_cast %swap3A_70 : i32 to index
      %swap3A_72 = arith.constant 16 : index
      %swap3A_73 = tpu.vector_load %arg8[%swap3A_71, %swap3A_72] {strides = array<i32>} : memref<8x128xf32, #tpu.memory_space<vmem>>, vector<1x16xf32>,
      %swap3A_74 = vector.shape_cast %swap3A_73 : vector<1x16xf32> to vector<16xf32>
      %swap3A_75 = vector.shape_cast %broadcast_in_dim3A_69 : vector<16xf32> to vector<1x16xf32>
      tpu.vector_store %arg8[%swap3A_71, %swap3A_72], %swap3A_75 {strides = array<i32>} : memref<8x128xf32, #tpu.memory_space<vmem>>, vector<1x16xf32>,
      %broadcast_in_dim3A_76 = arith.constant 0.000000e+00 : f32
      %broadcast_in_dim3A_77 = vector.broadcast %broadcast_in_dim3A_76 : f32 to vector<16xf32>
      %swap3A_78 = arith.constant 0 : i32
      %swap3A_79 = arith.index_cast %swap3A_78 : i32 to index
      %swap3A_80 = arith.constant 32 : index
      %swap3A_81 = tpu.vector_load %arg8[%swap3A_79, %swap3A_80] {strides = array<i32>} : memref<8x128xf32, #tpu.memory_space<vmem>>, vector<1x16xf32>,
      %swap3A_82 = vector.shape_cast %swap3A_81 : vector<1x16xf32> to vector<16xf32>
      %swap3A_83 = vector.shape_cast %broadcast_in_dim3A_77 : vector<16xf32> to vector<1x16xf32>
      tpu.vector_store %arg8[%swap3A_79, %swap3A_80], %swap3A_83 {strides = array<i32>} : memref<8x128xf32, #tpu.memory_space<vmem>>, vector<1x16xf32>,
      %broadcast_in_dim3A_84 = arith.constant 0.000000e+00 : f32
      %broadcast_in_dim3A_85 = vector.broadcast %broadcast_in_dim3A_84 : f32 to vector<16xf32>
      %swap3A_86 = arith.constant 0 : i32
      %swap3A_87 = arith.index_cast %swap3A_86 : i32 to index
      %swap3A_88 = arith.constant 48 : index
      %swap3A_89 = tpu.vector_load %arg8[%swap3A_87, %swap3A_88] {strides = array<i32>} : memref<8x128xf32, #tpu.memory_space<vmem>>, vector<1x16xf32>,
      %swap3A_90 = vector.shape_cast %swap3A_89 : vector<1x16xf32> to vector<16xf32>
      %swap3A_91 = vector.shape_cast %broadcast_in_dim3A_85 : vector<16xf32> to vector<1x16xf32>
      tpu.vector_store %arg8[%swap3A_87, %swap3A_88], %swap3A_91 {strides = array<i32>} : memref<8x128xf32, #tpu.memory_space<vmem>>, vector<1x16xf32>,
      %broadcast_in_dim3A_92 = arith.constant 0.000000e+00 : f32
      %broadcast_in_dim3A_93 = vector.broadcast %broadcast_in_dim3A_92 : f32 to vector<16xf32>
      %swap3A_94 = arith.constant 0 : i32
      %swap3A_95 = arith.index_cast %swap3A_94 : i32 to index
      %swap3A_96 = arith.constant 64 : index
      %swap3A_97 = tpu.vector_load %arg8[%swap3A_95, %swap3A_96] {strides = array<i32>} : memref<8x128xf32, #tpu.memory_space<vmem>>, vector<1x16xf32>,
      %swap3A_98 = vector.shape_cast %swap3A_97 : vector<1x16xf32> to vector<16xf32>
      %swap3A_99 = vector.shape_cast %broadcast_in_dim3A_93 : vector<16xf32> to vector<1x16xf32>
      tpu.vector_store %arg8[%swap3A_95, %swap3A_96], %swap3A_99 {strides = array<i32>} : memref<8x128xf32, #tpu.memory_space<vmem>>, vector<1x16xf32>,
      %broadcast_in_dim3A_100 = arith.constant 0.000000e+00 : f32
      %broadcast_in_dim3A_101 = vector.broadcast %broadcast_in_dim3A_100 : f32 to vector<16xf32>
      %swap3A_102 = arith.constant 0 : i32
      %swap3A_103 = arith.index_cast %swap3A_102 : i32 to index
      %swap3A_104 = arith.constant 80 : index
      %swap3A_105 = tpu.vector_load %arg8[%swap3A_103, %swap3A_104] {strides = array<i32>} : memref<8x128xf32, #tpu.memory_space<vmem>>, vector<1x16xf32>,
      %swap3A_106 = vector.shape_cast %swap3A_105 : vector<1x16xf32> to vector<16xf32>
      %swap3A_107 = vector.shape_cast %broadcast_in_dim3A_101 : vector<16xf32> to vector<1x16xf32>
      tpu.vector_store %arg8[%swap3A_103, %swap3A_104], %swap3A_107 {strides = array<i32>} : memref<8x128xf32, #tpu.memory_space<vmem>>, vector<1x16xf32>,
      %broadcast_in_dim3A_108 = arith.constant 0.000000e+00 : f32
      %broadcast_in_dim3A_109 = vector.broadcast %broadcast_in_dim3A_108 : f32 to vector<16xf32>
      %swap3A_110 = arith.constant 0 : i32
      %swap3A_111 = arith.index_cast %swap3A_110 : i32 to index
      %swap3A_112 = arith.constant 96 : index
      %swap3A_113 = tpu.vector_load %arg8[%swap3A_111, %swap3A_112] {strides = array<i32>} : memref<8x128xf32, #tpu.memory_space<vmem>>, vector<1x16xf32>,
      %swap3A_114 = vector.shape_cast %swap3A_113 : vector<1x16xf32> to vector<16xf32>
      %swap3A_115 = vector.shape_cast %broadcast_in_dim3A_109 : vector<16xf32> to vector<1x16xf32>
      tpu.vector_store %arg8[%swap3A_111, %swap3A_112], %swap3A_115 {strides = array<i32>} : memref<8x128xf32, #tpu.memory_space<vmem>>, vector<1x16xf32>,
      %broadcast_in_dim3A_116 = arith.constant 0.000000e+00 : f32
      %broadcast_in_dim3A_117 = vector.broadcast %broadcast_in_dim3A_116 : f32 to vector<16xf32>
      %swap3A_118 = arith.constant 0 : i32
      %swap3A_119 = arith.index_cast %swap3A_118 : i32 to index
      %swap3A_120 = arith.constant 112 : index
      %swap3A_121 = tpu.vector_load %arg8[%swap3A_119, %swap3A_120] {strides = array<i32>} : memref<8x128xf32, #tpu.memory_space<vmem>>, vector<1x16xf32>,
      %swap3A_122 = vector.shape_cast %swap3A_121 : vector<1x16xf32> to vector<16xf32>
      %swap3A_123 = vector.shape_cast %broadcast_in_dim3A_117 : vector<16xf32> to vector<1x16xf32>
      tpu.vector_store %arg8[%swap3A_119, %swap3A_120], %swap3A_123 {strides = array<i32>} : memref<8x128xf32, #tpu.memory_space<vmem>>, vector<1x16xf32>,
      %broadcast_in_dim3A_124 = arith.constant 0.000000e+00 : f32
      %broadcast_in_dim3A_125 = vector.broadcast %broadcast_in_dim3A_124 : f32 to vector<16xf32>
      %swap3A_126 = arith.constant 1 : i32
      %swap3A_127 = arith.index_cast %swap3A_126 : i32 to index
      %swap3A_128 = arith.constant 0 : index
      %swap3A_129 = tpu.vector_load %arg8[%swap3A_127, %swap3A_128] {strides = array<i32>} : memref<8x128xf32, #tpu.memory_space<vmem>>, vector<1x16xf32>,
      %swap3A_130 = vector.shape_cast %swap3A_129 : vector<1x16xf32> to vector<16xf32>
      %swap3A_131 = vector.shape_cast %broadcast_in_dim3A_125 : vector<16xf32> to vector<1x16xf32>
      tpu.vector_store %arg8[%swap3A_127, %swap3A_128], %swap3A_131 {strides = array<i32>} : memref<8x128xf32, #tpu.memory_space<vmem>>, vector<1x16xf32>,
      %broadcast_in_dim3A_132 = arith.constant 0.000000e+00 : f32
      %broadcast_in_dim3A_133 = vector.broadcast %broadcast_in_dim3A_132 : f32 to vector<16xf32>
      %swap3A_134 = arith.constant 1 : i32
      %swap3A_135 = arith.index_cast %swap3A_134 : i32 to index
      %swap3A_136 = arith.constant 16 : index
      %swap3A_137 = tpu.vector_load %arg8[%swap3A_135, %swap3A_136] {strides = array<i32>} : memref<8x128xf32, #tpu.memory_space<vmem>>, vector<1x16xf32>,
      %swap3A_138 = vector.shape_cast %swap3A_137 : vector<1x16xf32> to vector<16xf32>
      %swap3A_139 = vector.shape_cast %broadcast_in_dim3A_133 : vector<16xf32> to vector<1x16xf32>
      tpu.vector_store %arg8[%swap3A_135, %swap3A_136], %swap3A_139 {strides = array<i32>} : memref<8x128xf32, #tpu.memory_space<vmem>>, vector<1x16xf32>,
      %broadcast_in_dim3A_140 = arith.constant 0.000000e+00 : f32
      %broadcast_in_dim3A_141 = vector.broadcast %broadcast_in_dim3A_140 : f32 to vector<16xf32>
      %swap3A_142 = arith.constant 1 : i32
      %swap3A_143 = arith.index_cast %swap3A_142 : i32 to index
      %swap3A_144 = arith.constant 32 : index
      %swap3A_145 = tpu.vector_load %arg8[%swap3A_143, %swap3A_144] {strides = array<i32>} : memref<8x128xf32, #tpu.memory_space<vmem>>, vector<1x16xf32>,
      %swap3A_146 = vector.shape_cast %swap3A_145 : vector<1x16xf32> to vector<16xf32>
      %swap3A_147 = vector.shape_cast %broadcast_in_dim3A_141 : vector<16xf32> to vector<1x16xf32>
      tpu.vector_store %arg8[%swap3A_143, %swap3A_144], %swap3A_147 {strides = array<i32>} : memref<8x128xf32, #tpu.memory_space<vmem>>, vector<1x16xf32>,
      %broadcast_in_dim3A_148 = arith.constant 0.000000e+00 : f32
      %broadcast_in_dim3A_149 = vector.broadcast %broadcast_in_dim3A_148 : f32 to vector<16xf32>
      %swap3A_150 = arith.constant 1 : i32
      %swap3A_151 = arith.index_cast %swap3A_150 : i32 to index
      %swap3A_152 = arith.constant 48 : index
      %swap3A_153 = tpu.vector_load %arg8[%swap3A_151, %swap3A_152] {strides = array<i32>} : memref<8x128xf32, #tpu.memory_space<vmem>>, vector<1x16xf32>,
      %swap3A_154 = vector.shape_cast %swap3A_153 : vector<1x16xf32> to vector<16xf32>
      %swap3A_155 = vector.shape_cast %broadcast_in_dim3A_149 : vector<16xf32> to vector<1x16xf32>
      tpu.vector_store %arg8[%swap3A_151, %swap3A_152], %swap3A_155 {strides = array<i32>} : memref<8x128xf32, #tpu.memory_space<vmem>>, vector<1x16xf32>,
      %broadcast_in_dim3A_156 = arith.constant 0.000000e+00 : f32
      %broadcast_in_dim3A_157 = vector.broadcast %broadcast_in_dim3A_156 : f32 to vector<16xf32>
      %swap3A_158 = arith.constant 1 : i32
      %swap3A_159 = arith.index_cast %swap3A_158 : i32 to index
      %swap3A_160 = arith.constant 64 : index
      %swap3A_161 = tpu.vector_load %arg8[%swap3A_159, %swap3A_160] {strides = array<i32>} : memref<8x128xf32, #tpu.memory_space<vmem>>, vector<1x16xf32>,
      %swap3A_162 = vector.shape_cast %swap3A_161 : vector<1x16xf32> to vector<16xf32>
      %swap3A_163 = vector.shape_cast %broadcast_in_dim3A_157 : vector<16xf32> to vector<1x16xf32>
      tpu.vector_store %arg8[%swap3A_159, %swap3A_160], %swap3A_163 {strides = array<i32>} : memref<8x128xf32, #tpu.memory_space<vmem>>, vector<1x16xf32>,
      %broadcast_in_dim3A_164 = arith.constant 0.000000e+00 : f32
      %broadcast_in_dim3A_165 = vector.broadcast %broadcast_in_dim3A_164 : f32 to vector<16xf32>
      %swap3A_166 = arith.constant 1 : i32
      %swap3A_167 = arith.index_cast %swap3A_166 : i32 to index
      %swap3A_168 = arith.constant 80 : index
      %swap3A_169 = tpu.vector_load %arg8[%swap3A_167, %swap3A_168] {strides = array<i32>} : memref<8x128xf32, #tpu.memory_space<vmem>>, vector<1x16xf32>,
      %swap3A_170 = vector.shape_cast %swap3A_169 : vector<1x16xf32> to vector<16xf32>
      %swap3A_171 = vector.shape_cast %broadcast_in_dim3A_165 : vector<16xf32> to vector<1x16xf32>
      tpu.vector_store %arg8[%swap3A_167, %swap3A_168], %swap3A_171 {strides = array<i32>} : memref<8x128xf32, #tpu.memory_space<vmem>>, vector<1x16xf32>,
      %broadcast_in_dim3A_172 = arith.constant 0.000000e+00 : f32
      %broadcast_in_dim3A_173 = vector.broadcast %broadcast_in_dim3A_172 : f32 to vector<16xf32>
      %swap3A_174 = arith.constant 1 : i32
      %swap3A_175 = arith.index_cast %swap3A_174 : i32 to index
      %swap3A_176 = arith.constant 96 : index
      %swap3A_177 = tpu.vector_load %arg8[%swap3A_175, %swap3A_176] {strides = array<i32>} : memref<8x128xf32, #tpu.memory_space<vmem>>, vector<1x16xf32>,
      %swap3A_178 = vector.shape_cast %swap3A_177 : vector<1x16xf32> to vector<16xf32>
      %swap3A_179 = vector.shape_cast %broadcast_in_dim3A_173 : vector<16xf32> to vector<1x16xf32>
      tpu.vector_store %arg8[%swap3A_175, %swap3A_176], %swap3A_179 {strides = array<i32>} : memref<8x128xf32, #tpu.memory_space<vmem>>, vector<1x16xf32>,
      %broadcast_in_dim3A_180 = arith.constant 0.000000e+00 : f32
      %broadcast_in_dim3A_181 = vector.broadcast %broadcast_in_dim3A_180 : f32 to vector<16xf32>
      %swap3A_182 = arith.constant 1 : i32
      %swap3A_183 = arith.index_cast %swap3A_182 : i32 to index
      %swap3A_184 = arith.constant 112 : index
      %swap3A_185 = tpu.vector_load %arg8[%swap3A_183, %swap3A_184] {strides = array<i32>} : memref<8x128xf32, #tpu.memory_space<vmem>>, vector<1x16xf32>,
      %swap3A_186 = vector.shape_cast %swap3A_185 : vector<1x16xf32> to vector<16xf32>
      %swap3A_187 = vector.shape_cast %broadcast_in_dim3A_181 : vector<16xf32> to vector<1x16xf32>
      tpu.vector_store %arg8[%swap3A_183, %swap3A_184], %swap3A_187 {strides = array<i32>} : memref<8x128xf32, #tpu.memory_space<vmem>>, vector<1x16xf32>,
      %broadcast_in_dim3A_188 = arith.constant 0.000000e+00 : f32
      %broadcast_in_dim3A_189 = vector.broadcast %broadcast_in_dim3A_188 : f32 to vector<16xf32>
      %swap3A_190 = arith.constant 2 : i32
      %swap3A_191 = arith.index_cast %swap3A_190 : i32 to index
      %swap3A_192 = arith.constant 0 : index
      %swap3A_193 = tpu.vector_load %arg8[%swap3A_191, %swap3A_192] {strides = array<i32>} : memref<8x128xf32, #tpu.memory_space<vmem>>, vector<1x16xf32>,
      %swap3A_194 = vector.shape_cast %swap3A_193 : vector<1x16xf32> to vector<16xf32>
      %swap3A_195 = vector.shape_cast %broadcast_in_dim3A_189 : vector<16xf32> to vector<1x16xf32>
      tpu.vector_store %arg8[%swap3A_191, %swap3A_192], %swap3A_195 {strides = array<i32>} : memref<8x128xf32, #tpu.memory_space<vmem>>, vector<1x16xf32>,
      %broadcast_in_dim3A_196 = arith.constant 0.000000e+00 : f32
      %broadcast_in_dim3A_197 = vector.broadcast %broadcast_in_dim3A_196 : f32 to vector<16xf32>
      %swap3A_198 = arith.constant 2 : i32
      %swap3A_199 = arith.index_cast %swap3A_198 : i32 to index
      %swap3A_200 = arith.constant 16 : index
      %swap3A_201 = tpu.vector_load %arg8[%swap3A_199, %swap3A_200] {strides = array<i32>} : memref<8x128xf32, #tpu.memory_space<vmem>>, vector<1x16xf32>,
      %swap3A_202 = vector.shape_cast %swap3A_201 : vector<1x16xf32> to vector<16xf32>
      %swap3A_203 = vector.shape_cast %broadcast_in_dim3A_197 : vector<16xf32> to vector<1x16xf32>
      tpu.vector_store %arg8[%swap3A_199, %swap3A_200], %swap3A_203 {strides = array<i32>} : memref<8x128xf32, #tpu.memory_space<vmem>>, vector<1x16xf32>,
      %broadcast_in_dim3A_204 = arith.constant 0.000000e+00 : f32
      %broadcast_in_dim3A_205 = vector.broadcast %broadcast_in_dim3A_204 : f32 to vector<16xf32>
      %swap3A_206 = arith.constant 2 : i32
      %swap3A_207 = arith.index_cast %swap3A_206 : i32 to index
      %swap3A_208 = arith.constant 32 : index
      %swap3A_209 = tpu.vector_load %arg8[%swap3A_207, %swap3A_208] {strides = array<i32>} : memref<8x128xf32, #tpu.memory_space<vmem>>, vector<1x16xf32>,
      %swap3A_210 = vector.shape_cast %swap3A_209 : vector<1x16xf32> to vector<16xf32>
      %swap3A_211 = vector.shape_cast %broadcast_in_dim3A_205 : vector<16xf32> to vector<1x16xf32>
      tpu.vector_store %arg8[%swap3A_207, %swap3A_208], %swap3A_211 {strides = array<i32>} : memref<8x128xf32, #tpu.memory_space<vmem>>, vector<1x16xf32>,
      %broadcast_in_dim3A_212 = arith.constant 0.000000e+00 : f32
      %broadcast_in_dim3A_213 = vector.broadcast %broadcast_in_dim3A_212 : f32 to vector<16xf32>
      %swap3A_214 = arith.constant 2 : i32
      %swap3A_215 = arith.index_cast %swap3A_214 : i32 to index
      %swap3A_216 = arith.constant 48 : index
      %swap3A_217 = tpu.vector_load %arg8[%swap3A_215, %swap3A_216] {strides = array<i32>} : memref<8x128xf32, #tpu.memory_space<vmem>>, vector<1x16xf32>,
      %swap3A_218 = vector.shape_cast %swap3A_217 : vector<1x16xf32> to vector<16xf32>
      %swap3A_219 = vector.shape_cast %broadcast_in_dim3A_213 : vector<16xf32> to vector<1x16xf32>
      tpu.vector_store %arg8[%swap3A_215, %swap3A_216], %swap3A_219 {strides = array<i32>} : memref<8x128xf32, #tpu.memory_space<vmem>>, vector<1x16xf32>,
      %broadcast_in_dim3A_220 = arith.constant 0.000000e+00 : f32
      %broadcast_in_dim3A_221 = vector.broadcast %broadcast_in_dim3A_220 : f32 to vector<16xf32>
      %swap3A_222 = arith.constant 2 : i32
      %swap3A_223 = arith.index_cast %swap3A_222 : i32 to index
      %swap3A_224 = arith.constant 64 : index
      %swap3A_225 = tpu.vector_load %arg8[%swap3A_223, %swap3A_224] {strides = array<i32>} : memref<8x128xf32, #tpu.memory_space<vmem>>, vector<1x16xf32>,
      %swap3A_226 = vector.shape_cast %swap3A_225 : vector<1x16xf32> to vector<16xf32>
      %swap3A_227 = vector.shape_cast %broadcast_in_dim3A_221 : vector<16xf32> to vector<1x16xf32>
      tpu.vector_store %arg8[%swap3A_223, %swap3A_224], %swap3A_227 {strides = array<i32>} : memref<8x128xf32, #tpu.memory_space<vmem>>, vector<1x16xf32>,
      %broadcast_in_dim3A_228 = arith.constant 0.000000e+00 : f32
      %broadcast_in_dim3A_229 = vector.broadcast %broadcast_in_dim3A_228 : f32 to vector<16xf32>
      %swap3A_230 = arith.constant 2 : i32
      %swap3A_231 = arith.index_cast %swap3A_230 : i32 to index
      %swap3A_232 = arith.constant 80 : index
      %swap3A_233 = tpu.vector_load %arg8[%swap3A_231, %swap3A_232] {strides = array<i32>} : memref<8x128xf32, #tpu.memory_space<vmem>>, vector<1x16xf32>,
      %swap3A_234 = vector.shape_cast %swap3A_233 : vector<1x16xf32> to vector<16xf32>
      %swap3A_235 = vector.shape_cast %broadcast_in_dim3A_229 : vector<16xf32> to vector<1x16xf32>
      tpu.vector_store %arg8[%swap3A_231, %swap3A_232], %swap3A_235 {strides = array<i32>} : memref<8x128xf32, #tpu.memory_space<vmem>>, vector<1x16xf32>,
      %broadcast_in_dim3A_236 = arith.constant 0.000000e+00 : f32
      %broadcast_in_dim3A_237 = vector.broadcast %broadcast_in_dim3A_236 : f32 to vector<16xf32>
      %swap3A_238 = arith.constant 2 : i32
      %swap3A_239 = arith.index_cast %swap3A_238 : i32 to index
      %swap3A_240 = arith.constant 96 : index
      %swap3A_241 = tpu.vector_load %arg8[%swap3A_239, %swap3A_240] {strides = array<i32>} : memref<8x128xf32, #tpu.memory_space<vmem>>, vector<1x16xf32>,
      %swap3A_242 = vector.shape_cast %swap3A_241 : vector<1x16xf32> to vector<16xf32>
      %swap3A_243 = vector.shape_cast %broadcast_in_dim3A_237 : vector<16xf32> to vector<1x16xf32>
      tpu.vector_store %arg8[%swap3A_239, %swap3A_240], %swap3A_243 {strides = array<i32>} : memref<8x128xf32, #tpu.memory_space<vmem>>, vector<1x16xf32>,
      %broadcast_in_dim3A_244 = arith.constant 0.000000e+00 : f32
      %broadcast_in_dim3A_245 = vector.broadcast %broadcast_in_dim3A_244 : f32 to vector<16xf32>
      %swap3A_246 = arith.constant 2 : i32
      %swap3A_247 = arith.index_cast %swap3A_246 : i32 to index
      %swap3A_248 = arith.constant 112 : index
      %swap3A_249 = tpu.vector_load %arg8[%swap3A_247, %swap3A_248] {strides = array<i32>} : memref<8x128xf32, #tpu.memory_space<vmem>>, vector<1x16xf32>,
      %swap3A_250 = vector.shape_cast %swap3A_249 : vector<1x16xf32> to vector<16xf32>
      %swap3A_251 = vector.shape_cast %broadcast_in_dim3A_245 : vector<16xf32> to vector<1x16xf32>
      tpu.vector_store %arg8[%swap3A_247, %swap3A_248], %swap3A_251 {strides = array<i32>} : memref<8x128xf32, #tpu.memory_space<vmem>>, vector<1x16xf32>,
      %broadcast_in_dim3A_252 = arith.constant 0.000000e+00 : f32
      %broadcast_in_dim3A_253 = vector.broadcast %broadcast_in_dim3A_252 : f32 to vector<16xf32>
      %swap3A_254 = arith.constant 3 : i32
      %swap3A_255 = arith.index_cast %swap3A_254 : i32 to index
      %swap3A_256 = arith.constant 0 : index
      %swap3A_257 = tpu.vector_load %arg8[%swap3A_255, %swap3A_256] {strides = array<i32>} : memref<8x128xf32, #tpu.memory_space<vmem>>, vector<1x16xf32>,
      %swap3A_258 = vector.shape_cast %swap3A_257 : vector<1x16xf32> to vector<16xf32>
      %swap3A_259 = vector.shape_cast %broadcast_in_dim3A_253 : vector<16xf32> to vector<1x16xf32>
      tpu.vector_store %arg8[%swap3A_255, %swap3A_256], %swap3A_259 {strides = array<i32>} : memref<8x128xf32, #tpu.memory_space<vmem>>, vector<1x16xf32>,
      %broadcast_in_dim3A_260 = arith.constant 0.000000e+00 : f32
      %broadcast_in_dim3A_261 = vector.broadcast %broadcast_in_dim3A_260 : f32 to vector<16xf32>
      %swap3A_262 = arith.constant 3 : i32
      %swap3A_263 = arith.index_cast %swap3A_262 : i32 to index
      %swap3A_264 = arith.constant 16 : index
      %swap3A_265 = tpu.vector_load %arg8[%swap3A_263, %swap3A_264] {strides = array<i32>} : memref<8x128xf32, #tpu.memory_space<vmem>>, vector<1x16xf32>,
      %swap3A_266 = vector.shape_cast %swap3A_265 : vector<1x16xf32> to vector<16xf32>
      %swap3A_267 = vector.shape_cast %broadcast_in_dim3A_261 : vector<16xf32> to vector<1x16xf32>
      tpu.vector_store %arg8[%swap3A_263, %swap3A_264], %swap3A_267 {strides = array<i32>} : memref<8x128xf32, #tpu.memory_space<vmem>>, vector<1x16xf32>,
      %broadcast_in_dim3A_268 = arith.constant 0.000000e+00 : f32
      %broadcast_in_dim3A_269 = vector.broadcast %broadcast_in_dim3A_268 : f32 to vector<16xf32>
      %swap3A_270 = arith.constant 3 : i32
      %swap3A_271 = arith.index_cast %swap3A_270 : i32 to index
      %swap3A_272 = arith.constant 32 : index
      %swap3A_273 = tpu.vector_load %arg8[%swap3A_271, %swap3A_272] {strides = array<i32>} : memref<8x128xf32, #tpu.memory_space<vmem>>, vector<1x16xf32>,
      %swap3A_274 = vector.shape_cast %swap3A_273 : vector<1x16xf32> to vector<16xf32>
      %swap3A_275 = vector.shape_cast %broadcast_in_dim3A_269 : vector<16xf32> to vector<1x16xf32>
      tpu.vector_store %arg8[%swap3A_271, %swap3A_272], %swap3A_275 {strides = array<i32>} : memref<8x128xf32, #tpu.memory_space<vmem>>, vector<1x16xf32>,
      %broadcast_in_dim3A_276 = arith.constant 0.000000e+00 : f32
      %broadcast_in_dim3A_277 = vector.broadcast %broadcast_in_dim3A_276 : f32 to vector<16xf32>
      %swap3A_278 = arith.constant 3 : i32
      %swap3A_279 = arith.index_cast %swap3A_278 : i32 to index
      %swap3A_280 = arith.constant 48 : index
      %swap3A_281 = tpu.vector_load %arg8[%swap3A_279, %swap3A_280] {strides = array<i32>} : memref<8x128xf32, #tpu.memory_space<vmem>>, vector<1x16xf32>,
      %swap3A_282 = vector.shape_cast %swap3A_281 : vector<1x16xf32> to vector<16xf32>
      %swap3A_283 = vector.shape_cast %broadcast_in_dim3A_277 : vector<16xf32> to vector<1x16xf32>
      tpu.vector_store %arg8[%swap3A_279, %swap3A_280], %swap3A_283 {strides = array<i32>} : memref<8x128xf32, #tpu.memory_space<vmem>>, vector<1x16xf32>,
      %broadcast_in_dim3A_284 = arith.constant 0.000000e+00 : f32
      %broadcast_in_dim3A_285 = vector.broadcast %broadcast_in_dim3A_284 : f32 to vector<16xf32>
      %swap3A_286 = arith.constant 3 : i32
      %swap3A_287 = arith.index_cast %swap3A_286 : i32 to index
      %swap3A_288 = arith.constant 64 : index
      %swap3A_289 = tpu.vector_load %arg8[%swap3A_287, %swap3A_288] {strides = array<i32>} : memref<8x128xf32, #tpu.memory_space<vmem>>, vector<1x16xf32>,
      %swap3A_290 = vector.shape_cast %swap3A_289 : vector<1x16xf32> to vector<16xf32>
      %swap3A_291 = vector.shape_cast %broadcast_in_dim3A_285 : vector<16xf32> to vector<1x16xf32>
      tpu.vector_store %arg8[%swap3A_287, %swap3A_288], %swap3A_291 {strides = array<i32>} : memref<8x128xf32, #tpu.memory_space<vmem>>, vector<1x16xf32>,
      %broadcast_in_dim3A_292 = arith.constant 0.000000e+00 : f32
      %broadcast_in_dim3A_293 = vector.broadcast %broadcast_in_dim3A_292 : f32 to vector<16xf32>
      %swap3A_294 = arith.constant 3 : i32
      %swap3A_295 = arith.index_cast %swap3A_294 : i32 to index
      %swap3A_296 = arith.constant 80 : index
      %swap3A_297 = tpu.vector_load %arg8[%swap3A_295, %swap3A_296] {strides = array<i32>} : memref<8x128xf32, #tpu.memory_space<vmem>>, vector<1x16xf32>,
      %swap3A_298 = vector.shape_cast %swap3A_297 : vector<1x16xf32> to vector<16xf32>
      %swap3A_299 = vector.shape_cast %broadcast_in_dim3A_293 : vector<16xf32> to vector<1x16xf32>
      tpu.vector_store %arg8[%swap3A_295, %swap3A_296], %swap3A_299 {strides = array<i32>} : memref<8x128xf32, #tpu.memory_space<vmem>>, vector<1x16xf32>,
      %broadcast_in_dim3A_300 = arith.constant 0.000000e+00 : f32
      %broadcast_in_dim3A_301 = vector.broadcast %broadcast_in_dim3A_300 : f32 to vector<16xf32>
      %swap3A_302 = arith.constant 3 : i32
      %swap3A_303 = arith.index_cast %swap3A_302 : i32 to index
      %swap3A_304 = arith.constant 96 : index
      %swap3A_305 = tpu.vector_load %arg8[%swap3A_303, %swap3A_304] {strides = array<i32>} : memref<8x128xf32, #tpu.memory_space<vmem>>, vector<1x16xf32>,
      %swap3A_306 = vector.shape_cast %swap3A_305 : vector<1x16xf32> to vector<16xf32>
      %swap3A_307 = vector.shape_cast %broadcast_in_dim3A_301 : vector<16xf32> to vector<1x16xf32>
      tpu.vector_store %arg8[%swap3A_303, %swap3A_304], %swap3A_307 {strides = array<i32>} : memref<8x128xf32, #tpu.memory_space<vmem>>, vector<1x16xf32>,
      %broadcast_in_dim3A_308 = arith.constant 0.000000e+00 : f32
      %broadcast_in_dim3A_309 = vector.broadcast %broadcast_in_dim3A_308 : f32 to vector<16xf32>
      %swap3A_310 = arith.constant 3 : i32
      %swap3A_311 = arith.index_cast %swap3A_310 : i32 to index
      %swap3A_312 = arith.constant 112 : index
      %swap3A_313 = tpu.vector_load %arg8[%swap3A_311, %swap3A_312] {strides = array<i32>} : memref<8x128xf32, #tpu.memory_space<vmem>>, vector<1x16xf32>,
      %swap3A_314 = vector.shape_cast %swap3A_313 : vector<1x16xf32> to vector<16xf32>
      %swap3A_315 = vector.shape_cast %broadcast_in_dim3A_309 : vector<16xf32> to vector<1x16xf32>
      tpu.vector_store %arg8[%swap3A_311, %swap3A_312], %swap3A_315 {strides = array<i32>} : memref<8x128xf32, #tpu.memory_space<vmem>>, vector<1x16xf32>,
      %broadcast_in_dim3A_316 = arith.constant 0.000000e+00 : f32
      %broadcast_in_dim3A_317 = vector.broadcast %broadcast_in_dim3A_316 : f32 to vector<16xf32>
      %swap3A_318 = arith.constant 4 : i32
      %swap3A_319 = arith.index_cast %swap3A_318 : i32 to index
      %swap3A_320 = arith.constant 0 : index
      %swap3A_321 = tpu.vector_load %arg8[%swap3A_319, %swap3A_320] {strides = array<i32>} : memref<8x128xf32, #tpu.memory_space<vmem>>, vector<1x16xf32>,
      %swap3A_322 = vector.shape_cast %swap3A_321 : vector<1x16xf32> to vector<16xf32>
      %swap3A_323 = vector.shape_cast %broadcast_in_dim3A_317 : vector<16xf32> to vector<1x16xf32>
      tpu.vector_store %arg8[%swap3A_319, %swap3A_320], %swap3A_323 {strides = array<i32>} : memref<8x128xf32, #tpu.memory_space<vmem>>, vector<1x16xf32>,
      %broadcast_in_dim3A_324 = arith.constant 0.000000e+00 : f32
      %broadcast_in_dim3A_325 = vector.broadcast %broadcast_in_dim3A_324 : f32 to vector<16xf32>
      %swap3A_326 = arith.constant 4 : i32
      %swap3A_327 = arith.index_cast %swap3A_326 : i32 to index
      %swap3A_328 = arith.constant 16 : index
      %swap3A_329 = tpu.vector_load %arg8[%swap3A_327, %swap3A_328] {strides = array<i32>} : memref<8x128xf32, #tpu.memory_space<vmem>>, vector<1x16xf32>,
      %swap3A_330 = vector.shape_cast %swap3A_329 : vector<1x16xf32> to vector<16xf32>
      %swap3A_331 = vector.shape_cast %broadcast_in_dim3A_325 : vector<16xf32> to vector<1x16xf32>
      tpu.vector_store %arg8[%swap3A_327, %swap3A_328], %swap3A_331 {strides = array<i32>} : memref<8x128xf32, #tpu.memory_space<vmem>>, vector<1x16xf32>,
      %broadcast_in_dim3A_332 = arith.constant 0.000000e+00 : f32
      %broadcast_in_dim3A_333 = vector.broadcast %broadcast_in_dim3A_332 : f32 to vector<16xf32>
      %swap3A_334 = arith.constant 4 : i32
      %swap3A_335 = arith.index_cast %swap3A_334 : i32 to index
      %swap3A_336 = arith.constant 32 : index
      %swap3A_337 = tpu.vector_load %arg8[%swap3A_335, %swap3A_336] {strides = array<i32>} : memref<8x128xf32, #tpu.memory_space<vmem>>, vector<1x16xf32>,
      %swap3A_338 = vector.shape_cast %swap3A_337 : vector<1x16xf32> to vector<16xf32>
      %swap3A_339 = vector.shape_cast %broadcast_in_dim3A_333 : vector<16xf32> to vector<1x16xf32>
      tpu.vector_store %arg8[%swap3A_335, %swap3A_336], %swap3A_339 {strides = array<i32>} : memref<8x128xf32, #tpu.memory_space<vmem>>, vector<1x16xf32>,
      %broadcast_in_dim3A_340 = arith.constant 0.000000e+00 : f32
      %broadcast_in_dim3A_341 = vector.broadcast %broadcast_in_dim3A_340 : f32 to vector<16xf32>
      %swap3A_342 = arith.constant 4 : i32
      %swap3A_343 = arith.index_cast %swap3A_342 : i32 to index
      %swap3A_344 = arith.constant 48 : index
      %swap3A_345 = tpu.vector_load %arg8[%swap3A_343, %swap3A_344] {strides = array<i32>} : memref<8x128xf32, #tpu.memory_space<vmem>>, vector<1x16xf32>,
      %swap3A_346 = vector.shape_cast %swap3A_345 : vector<1x16xf32> to vector<16xf32>
      %swap3A_347 = vector.shape_cast %broadcast_in_dim3A_341 : vector<16xf32> to vector<1x16xf32>
      tpu.vector_store %arg8[%swap3A_343, %swap3A_344], %swap3A_347 {strides = array<i32>} : memref<8x128xf32, #tpu.memory_space<vmem>>, vector<1x16xf32>,
      %broadcast_in_dim3A_348 = arith.constant 0.000000e+00 : f32
      %broadcast_in_dim3A_349 = vector.broadcast %broadcast_in_dim3A_348 : f32 to vector<16xf32>
      %swap3A_350 = arith.constant 4 : i32
      %swap3A_351 = arith.index_cast %swap3A_350 : i32 to index
      %swap3A_352 = arith.constant 64 : index
      %swap3A_353 = tpu.vector_load %arg8[%swap3A_351, %swap3A_352] {strides = array<i32>} : memref<8x128xf32, #tpu.memory_space<vmem>>, vector<1x16xf32>,
      %swap3A_354 = vector.shape_cast %swap3A_353 : vector<1x16xf32> to vector<16xf32>
      %swap3A_355 = vector.shape_cast %broadcast_in_dim3A_349 : vector<16xf32> to vector<1x16xf32>
      tpu.vector_store %arg8[%swap3A_351, %swap3A_352], %swap3A_355 {strides = array<i32>} : memref<8x128xf32, #tpu.memory_space<vmem>>, vector<1x16xf32>,
      %broadcast_in_dim3A_356 = arith.constant 0.000000e+00 : f32
      %broadcast_in_dim3A_357 = vector.broadcast %broadcast_in_dim3A_356 : f32 to vector<16xf32>
      %swap3A_358 = arith.constant 4 : i32
      %swap3A_359 = arith.index_cast %swap3A_358 : i32 to index
      %swap3A_360 = arith.constant 80 : index
      %swap3A_361 = tpu.vector_load %arg8[%swap3A_359, %swap3A_360] {strides = array<i32>} : memref<8x128xf32, #tpu.memory_space<vmem>>, vector<1x16xf32>,
      %swap3A_362 = vector.shape_cast %swap3A_361 : vector<1x16xf32> to vector<16xf32>
      %swap3A_363 = vector.shape_cast %broadcast_in_dim3A_357 : vector<16xf32> to vector<1x16xf32>
      tpu.vector_store %arg8[%swap3A_359, %swap3A_360], %swap3A_363 {strides = array<i32>} : memref<8x128xf32, #tpu.memory_space<vmem>>, vector<1x16xf32>,
      %broadcast_in_dim3A_364 = arith.constant 0.000000e+00 : f32
      %broadcast_in_dim3A_365 = vector.broadcast %broadcast_in_dim3A_364 : f32 to vector<16xf32>
      %swap3A_366 = arith.constant 4 : i32
      %swap3A_367 = arith.index_cast %swap3A_366 : i32 to index
      %swap3A_368 = arith.constant 96 : index
      %swap3A_369 = tpu.vector_load %arg8[%swap3A_367, %swap3A_368] {strides = array<i32>} : memref<8x128xf32, #tpu.memory_space<vmem>>, vector<1x16xf32>,
      %swap3A_370 = vector.shape_cast %swap3A_369 : vector<1x16xf32> to vector<16xf32>
      %swap3A_371 = vector.shape_cast %broadcast_in_dim3A_365 : vector<16xf32> to vector<1x16xf32>
      tpu.vector_store %arg8[%swap3A_367, %swap3A_368], %swap3A_371 {strides = array<i32>} : memref<8x128xf32, #tpu.memory_space<vmem>>, vector<1x16xf32>,
      %broadcast_in_dim3A_372 = arith.constant 0.000000e+00 : f32
      %broadcast_in_dim3A_373 = vector.broadcast %broadcast_in_dim3A_372 : f32 to vector<16xf32>
      %swap3A_374 = arith.constant 4 : i32
      %swap3A_375 = arith.index_cast %swap3A_374 : i32 to index
      %swap3A_376 = arith.constant 112 : index
      %swap3A_377 = tpu.vector_load %arg8[%swap3A_375, %swap3A_376] {strides = array<i32>} : memref<8x128xf32, #tpu.memory_space<vmem>>, vector<1x16xf32>,
      %swap3A_378 = vector.shape_cast %swap3A_377 : vector<1x16xf32> to vector<16xf32>
      %swap3A_379 = vector.shape_cast %broadcast_in_dim3A_373 : vector<16xf32> to vector<1x16xf32>
      tpu.vector_store %arg8[%swap3A_375, %swap3A_376], %swap3A_379 {strides = array<i32>} : memref<8x128xf32, #tpu.memory_space<vmem>>, vector<1x16xf32>,
      %broadcast_in_dim3A_380 = arith.constant 0.000000e+00 : f32
      %broadcast_in_dim3A_381 = vector.broadcast %broadcast_in_dim3A_380 : f32 to vector<16xf32>
      %swap3A_382 = arith.constant 5 : i32
      %swap3A_383 = arith.index_cast %swap3A_382 : i32 to index
      %swap3A_384 = arith.constant 0 : index
      %swap3A_385 = tpu.vector_load %arg8[%swap3A_383, %swap3A_384] {strides = array<i32>} : memref<8x128xf32, #tpu.memory_space<vmem>>, vector<1x16xf32>,
      %swap3A_386 = vector.shape_cast %swap3A_385 : vector<1x16xf32> to vector<16xf32>
      %swap3A_387 = vector.shape_cast %broadcast_in_dim3A_381 : vector<16xf32> to vector<1x16xf32>
      tpu.vector_store %arg8[%swap3A_383, %swap3A_384], %swap3A_387 {strides = array<i32>} : memref<8x128xf32, #tpu.memory_space<vmem>>, vector<1x16xf32>,
      %broadcast_in_dim3A_388 = arith.constant 0.000000e+00 : f32
      %broadcast_in_dim3A_389 = vector.broadcast %broadcast_in_dim3A_388 : f32 to vector<16xf32>
      %swap3A_390 = arith.constant 5 : i32
      %swap3A_391 = arith.index_cast %swap3A_390 : i32 to index
      %swap3A_392 = arith.constant 16 : index
      %swap3A_393 = tpu.vector_load %arg8[%swap3A_391, %swap3A_392] {strides = array<i32>} : memref<8x128xf32, #tpu.memory_space<vmem>>, vector<1x16xf32>,
      %swap3A_394 = vector.shape_cast %swap3A_393 : vector<1x16xf32> to vector<16xf32>
      %swap3A_395 = vector.shape_cast %broadcast_in_dim3A_389 : vector<16xf32> to vector<1x16xf32>
      tpu.vector_store %arg8[%swap3A_391, %swap3A_392], %swap3A_395 {strides = array<i32>} : memref<8x128xf32, #tpu.memory_space<vmem>>, vector<1x16xf32>,
      %broadcast_in_dim3A_396 = arith.constant 0.000000e+00 : f32
      %broadcast_in_dim3A_397 = vector.broadcast %broadcast_in_dim3A_396 : f32 to vector<16xf32>
      %swap3A_398 = arith.constant 5 : i32
      %swap3A_399 = arith.index_cast %swap3A_398 : i32 to index
      %swap3A_400 = arith.constant 32 : index
      %swap3A_401 = tpu.vector_load %arg8[%swap3A_399, %swap3A_400] {strides = array<i32>} : memref<8x128xf32, #tpu.memory_space<vmem>>, vector<1x16xf32>,
      %swap3A_402 = vector.shape_cast %swap3A_401 : vector<1x16xf32> to vector<16xf32>
      %swap3A_403 = vector.shape_cast %broadcast_in_dim3A_397 : vector<16xf32> to vector<1x16xf32>
      tpu.vector_store %arg8[%swap3A_399, %swap3A_400], %swap3A_403 {strides = array<i32>} : memref<8x128xf32, #tpu.memory_space<vmem>>, vector<1x16xf32>,
      %broadcast_in_dim3A_404 = arith.constant 0.000000e+00 : f32
      %broadcast_in_dim3A_405 = vector.broadcast %broadcast_in_dim3A_404 : f32 to vector<16xf32>
      %swap3A_406 = arith.constant 5 : i32
      %swap3A_407 = arith.index_cast %swap3A_406 : i32 to index
      %swap3A_408 = arith.constant 48 : index
      %swap3A_409 = tpu.vector_load %arg8[%swap3A_407, %swap3A_408] {strides = array<i32>} : memref<8x128xf32, #tpu.memory_space<vmem>>, vector<1x16xf32>,
      %swap3A_410 = vector.shape_cast %swap3A_409 : vector<1x16xf32> to vector<16xf32>
      %swap3A_411 = vector.shape_cast %broadcast_in_dim3A_405 : vector<16xf32> to vector<1x16xf32>
      tpu.vector_store %arg8[%swap3A_407, %swap3A_408], %swap3A_411 {strides = array<i32>} : memref<8x128xf32, #tpu.memory_space<vmem>>, vector<1x16xf32>,
      %broadcast_in_dim3A_412 = arith.constant 0.000000e+00 : f32
      %broadcast_in_dim3A_413 = vector.broadcast %broadcast_in_dim3A_412 : f32 to vector<16xf32>
      %swap3A_414 = arith.constant 5 : i32
      %swap3A_415 = arith.index_cast %swap3A_414 : i32 to index
      %swap3A_416 = arith.constant 64 : index
      %swap3A_417 = tpu.vector_load %arg8[%swap3A_415, %swap3A_416] {strides = array<i32>} : memref<8x128xf32, #tpu.memory_space<vmem>>, vector<1x16xf32>,
      %swap3A_418 = vector.shape_cast %swap3A_417 : vector<1x16xf32> to vector<16xf32>
      %swap3A_419 = vector.shape_cast %broadcast_in_dim3A_413 : vector<16xf32> to vector<1x16xf32>
      tpu.vector_store %arg8[%swap3A_415, %swap3A_416], %swap3A_419 {strides = array<i32>} : memref<8x128xf32, #tpu.memory_space<vmem>>, vector<1x16xf32>,
      %broadcast_in_dim3A_420 = arith.constant 0.000000e+00 : f32
      %broadcast_in_dim3A_421 = vector.broadcast %broadcast_in_dim3A_420 : f32 to vector<16xf32>
      %swap3A_422 = arith.constant 5 : i32
      %swap3A_423 = arith.index_cast %swap3A_422 : i32 to index
      %swap3A_424 = arith.constant 80 : index
      %swap3A_425 = tpu.vector_load %arg8[%swap3A_423, %swap3A_424] {strides = array<i32>} : memref<8x128xf32, #tpu.memory_space<vmem>>, vector<1x16xf32>,
      %swap3A_426 = vector.shape_cast %swap3A_425 : vector<1x16xf32> to vector<16xf32>
      %swap3A_427 = vector.shape_cast %broadcast_in_dim3A_421 : vector<16xf32> to vector<1x16xf32>
      tpu.vector_store %arg8[%swap3A_423, %swap3A_424], %swap3A_427 {strides = array<i32>} : memref<8x128xf32, #tpu.memory_space<vmem>>, vector<1x16xf32>,
      %broadcast_in_dim3A_428 = arith.constant 0.000000e+00 : f32
      %broadcast_in_dim3A_429 = vector.broadcast %broadcast_in_dim3A_428 : f32 to vector<16xf32>
      %swap3A_430 = arith.constant 5 : i32
      %swap3A_431 = arith.index_cast %swap3A_430 : i32 to index
      %swap3A_432 = arith.constant 96 : index
      %swap3A_433 = tpu.vector_load %arg8[%swap3A_431, %swap3A_432] {strides = array<i32>} : memref<8x128xf32, #tpu.memory_space<vmem>>, vector<1x16xf32>,
      %swap3A_434 = vector.shape_cast %swap3A_433 : vector<1x16xf32> to vector<16xf32>
      %swap3A_435 = vector.shape_cast %broadcast_in_dim3A_429 : vector<16xf32> to vector<1x16xf32>
      tpu.vector_store %arg8[%swap3A_431, %swap3A_432], %swap3A_435 {strides = array<i32>} : memref<8x128xf32, #tpu.memory_space<vmem>>, vector<1x16xf32>,
      %broadcast_in_dim3A_436 = arith.constant 0.000000e+00 : f32
      %broadcast_in_dim3A_437 = vector.broadcast %broadcast_in_dim3A_436 : f32 to vector<16xf32>
      %swap3A_438 = arith.constant 5 : i32
      %swap3A_439 = arith.index_cast %swap3A_438 : i32 to index
      %swap3A_440 = arith.constant 112 : index
      %swap3A_441 = tpu.vector_load %arg8[%swap3A_439, %swap3A_440] {strides = array<i32>} : memref<8x128xf32, #tpu.memory_space<vmem>>, vector<1x16xf32>,
      %swap3A_442 = vector.shape_cast %swap3A_441 : vector<1x16xf32> to vector<16xf32>
      %swap3A_443 = vector.shape_cast %broadcast_in_dim3A_437 : vector<16xf32> to vector<1x16xf32>
      tpu.vector_store %arg8[%swap3A_439, %swap3A_440], %swap3A_443 {strides = array<i32>} : memref<8x128xf32, #tpu.memory_space<vmem>>, vector<1x16xf32>,
      %broadcast_in_dim3A_444 = arith.constant 0.000000e+00 : f32
      %broadcast_in_dim3A_445 = vector.broadcast %broadcast_in_dim3A_444 : f32 to vector<16xf32>
      %swap3A_446 = arith.constant 6 : i32
      %swap3A_447 = arith.index_cast %swap3A_446 : i32 to index
      %swap3A_448 = arith.constant 0 : index
      %swap3A_449 = tpu.vector_load %arg8[%swap3A_447, %swap3A_448] {strides = array<i32>} : memref<8x128xf32, #tpu.memory_space<vmem>>, vector<1x16xf32>,
      %swap3A_450 = vector.shape_cast %swap3A_449 : vector<1x16xf32> to vector<16xf32>
      %swap3A_451 = vector.shape_cast %broadcast_in_dim3A_445 : vector<16xf32> to vector<1x16xf32>
      tpu.vector_store %arg8[%swap3A_447, %swap3A_448], %swap3A_451 {strides = array<i32>} : memref<8x128xf32, #tpu.memory_space<vmem>>, vector<1x16xf32>,
      %broadcast_in_dim3A_452 = arith.constant 0.000000e+00 : f32
      %broadcast_in_dim3A_453 = vector.broadcast %broadcast_in_dim3A_452 : f32 to vector<16xf32>
      %swap3A_454 = arith.constant 6 : i32
      %swap3A_455 = arith.index_cast %swap3A_454 : i32 to index
      %swap3A_456 = arith.constant 16 : index
      %swap3A_457 = tpu.vector_load %arg8[%swap3A_455, %swap3A_456] {strides = array<i32>} : memref<8x128xf32, #tpu.memory_space<vmem>>, vector<1x16xf32>,
      %swap3A_458 = vector.shape_cast %swap3A_457 : vector<1x16xf32> to vector<16xf32>
      %swap3A_459 = vector.shape_cast %broadcast_in_dim3A_453 : vector<16xf32> to vector<1x16xf32>
      tpu.vector_store %arg8[%swap3A_455, %swap3A_456], %swap3A_459 {strides = array<i32>} : memref<8x128xf32, #tpu.memory_space<vmem>>, vector<1x16xf32>,
      %broadcast_in_dim3A_460 = arith.constant 0.000000e+00 : f32
      %broadcast_in_dim3A_461 = vector.broadcast %broadcast_in_dim3A_460 : f32 to vector<16xf32>
      %swap3A_462 = arith.constant 6 : i32
      %swap3A_463 = arith.index_cast %swap3A_462 : i32 to index
      %swap3A_464 = arith.constant 32 : index
      %swap3A_465 = tpu.vector_load %arg8[%swap3A_463, %swap3A_464] {strides = array<i32>} : memref<8x128xf32, #tpu.memory_space<vmem>>, vector<1x16xf32>,
      %swap3A_466 = vector.shape_cast %swap3A_465 : vector<1x16xf32> to vector<16xf32>
      %swap3A_467 = vector.shape_cast %broadcast_in_dim3A_461 : vector<16xf32> to vector<1x16xf32>
      tpu.vector_store %arg8[%swap3A_463, %swap3A_464], %swap3A_467 {strides = array<i32>} : memref<8x128xf32, #tpu.memory_space<vmem>>, vector<1x16xf32>,
      %broadcast_in_dim3A_468 = arith.constant 0.000000e+00 : f32
      %broadcast_in_dim3A_469 = vector.broadcast %broadcast_in_dim3A_468 : f32 to vector<16xf32>
      %swap3A_470 = arith.constant 6 : i32
      %swap3A_471 = arith.index_cast %swap3A_470 : i32 to index
      %swap3A_472 = arith.constant 48 : index
      %swap3A_473 = tpu.vector_load %arg8[%swap3A_471, %swap3A_472] {strides = array<i32>} : memref<8x128xf32, #tpu.memory_space<vmem>>, vector<1x16xf32>,
      %swap3A_474 = vector.shape_cast %swap3A_473 : vector<1x16xf32> to vector<16xf32>
      %swap3A_475 = vector.shape_cast %broadcast_in_dim3A_469 : vector<16xf32> to vector<1x16xf32>
      tpu.vector_store %arg8[%swap3A_471, %swap3A_472], %swap3A_475 {strides = array<i32>} : memref<8x128xf32, #tpu.memory_space<vmem>>, vector<1x16xf32>,
      %broadcast_in_dim3A_476 = arith.constant 0.000000e+00 : f32
      %broadcast_in_dim3A_477 = vector.broadcast %broadcast_in_dim3A_476 : f32 to vector<16xf32>
      %swap3A_478 = arith.constant 6 : i32
      %swap3A_479 = arith.index_cast %swap3A_478 : i32 to index
      %swap3A_480 = arith.constant 64 : index
      %swap3A_481 = tpu.vector_load %arg8[%swap3A_479, %swap3A_480] {strides = array<i32>} : memref<8x128xf32, #tpu.memory_space<vmem>>, vector<1x16xf32>,
      %swap3A_482 = vector.shape_cast %swap3A_481 : vector<1x16xf32> to vector<16xf32>
      %swap3A_483 = vector.shape_cast %broadcast_in_dim3A_477 : vector<16xf32> to vector<1x16xf32>
      tpu.vector_store %arg8[%swap3A_479, %swap3A_480], %swap3A_483 {strides = array<i32>} : memref<8x128xf32, #tpu.memory_space<vmem>>, vector<1x16xf32>,
      %broadcast_in_dim3A_484 = arith.constant 0.000000e+00 : f32
      %broadcast_in_dim3A_485 = vector.broadcast %broadcast_in_dim3A_484 : f32 to vector<16xf32>
      %swap3A_486 = arith.constant 6 : i32
      %swap3A_487 = arith.index_cast %swap3A_486 : i32 to index
      %swap3A_488 = arith.constant 80 : index
      %swap3A_489 = tpu.vector_load %arg8[%swap3A_487, %swap3A_488] {strides = array<i32>} : memref<8x128xf32, #tpu.memory_space<vmem>>, vector<1x16xf32>,
      %swap3A_490 = vector.shape_cast %swap3A_489 : vector<1x16xf32> to vector<16xf32>
      %swap3A_491 = vector.shape_cast %broadcast_in_dim3A_485 : vector<16xf32> to vector<1x16xf32>
      tpu.vector_store %arg8[%swap3A_487, %swap3A_488], %swap3A_491 {strides = array<i32>} : memref<8x128xf32, #tpu.memory_space<vmem>>, vector<1x16xf32>,
      %broadcast_in_dim3A_492 = arith.constant 0.000000e+00 : f32
      %broadcast_in_dim3A_493 = vector.broadcast %broadcast_in_dim3A_492 : f32 to vector<16xf32>
      %swap3A_494 = arith.constant 6 : i32
      %swap3A_495 = arith.index_cast %swap3A_494 : i32 to index
      %swap3A_496 = arith.constant 96 : index
      %swap3A_497 = tpu.vector_load %arg8[%swap3A_495, %swap3A_496] {strides = array<i32>} : memref<8x128xf32, #tpu.memory_space<vmem>>, vector<1x16xf32>,
      %swap3A_498 = vector.shape_cast %swap3A_497 : vector<1x16xf32> to vector<16xf32>
      %swap3A_499 = vector.shape_cast %broadcast_in_dim3A_493 : vector<16xf32> to vector<1x16xf32>
      tpu.vector_store %arg8[%swap3A_495, %swap3A_496], %swap3A_499 {strides = array<i32>} : memref<8x128xf32, #tpu.memory_space<vmem>>, vector<1x16xf32>,
      %broadcast_in_dim3A_500 = arith.constant 0.000000e+00 : f32
      %broadcast_in_dim3A_501 = vector.broadcast %broadcast_in_dim3A_500 : f32 to vector<16xf32>
      %swap3A_502 = arith.constant 6 : i32
      %swap3A_503 = arith.index_cast %swap3A_502 : i32 to index
      %swap3A_504 = arith.constant 112 : index
      %swap3A_505 = tpu.vector_load %arg8[%swap3A_503, %swap3A_504] {strides = array<i32>} : memref<8x128xf32, #tpu.memory_space<vmem>>, vector<1x16xf32>,
      %swap3A_506 = vector.shape_cast %swap3A_505 : vector<1x16xf32> to vector<16xf32>
      %swap3A_507 = vector.shape_cast %broadcast_in_dim3A_501 : vector<16xf32> to vector<1x16xf32>
      tpu.vector_store %arg8[%swap3A_503, %swap3A_504], %swap3A_507 {strides = array<i32>} : memref<8x128xf32, #tpu.memory_space<vmem>>, vector<1x16xf32>,
      %broadcast_in_dim3A_508 = arith.constant 0.000000e+00 : f32
      %broadcast_in_dim3A_509 = vector.broadcast %broadcast_in_dim3A_508 : f32 to vector<16xf32>
      %swap3A_510 = arith.constant 7 : i32
      %swap3A_511 = arith.index_cast %swap3A_510 : i32 to index
      %swap3A_512 = arith.constant 0 : index
      %swap3A_513 = tpu.vector_load %arg8[%swap3A_511, %swap3A_512] {strides = array<i32>} : memref<8x128xf32, #tpu.memory_space<vmem>>, vector<1x16xf32>,
      %swap3A_514 = vector.shape_cast %swap3A_513 : vector<1x16xf32> to vector<16xf32>
      %swap3A_515 = vector.shape_cast %broadcast_in_dim3A_509 : vector<16xf32> to vector<1x16xf32>
      tpu.vector_store %arg8[%swap3A_511, %swap3A_512], %swap3A_515 {strides = array<i32>} : memref<8x128xf32, #tpu.memory_space<vmem>>, vector<1x16xf32>,
      %broadcast_in_dim3A_516 = arith.constant 0.000000e+00 : f32
      %broadcast_in_dim3A_517 = vector.broadcast %broadcast_in_dim3A_516 : f32 to vector<16xf32>
      %swap3A_518 = arith.constant 7 : i32
      %swap3A_519 = arith.index_cast %swap3A_518 : i32 to index
      %swap3A_520 = arith.constant 16 : index
      %swap3A_521 = tpu.vector_load %arg8[%swap3A_519, %swap3A_520] {strides = array<i32>} : memref<8x128xf32, #tpu.memory_space<vmem>>, vector<1x16xf32>,
      %swap3A_522 = vector.shape_cast %swap3A_521 : vector<1x16xf32> to vector<16xf32>
      %swap3A_523 = vector.shape_cast %broadcast_in_dim3A_517 : vector<16xf32> to vector<1x16xf32>
      tpu.vector_store %arg8[%swap3A_519, %swap3A_520], %swap3A_523 {strides = array<i32>} : memref<8x128xf32, #tpu.memory_space<vmem>>, vector<1x16xf32>,
      %broadcast_in_dim3A_524 = arith.constant 0.000000e+00 : f32
      %broadcast_in_dim3A_525 = vector.broadcast %broadcast_in_dim3A_524 : f32 to vector<16xf32>
      %swap3A_526 = arith.constant 7 : i32
      %swap3A_527 = arith.index_cast %swap3A_526 : i32 to index
      %swap3A_528 = arith.constant 32 : index
      %swap3A_529 = tpu.vector_load %arg8[%swap3A_527, %swap3A_528] {strides = array<i32>} : memref<8x128xf32, #tpu.memory_space<vmem>>, vector<1x16xf32>,
      %swap3A_530 = vector.shape_cast %swap3A_529 : vector<1x16xf32> to vector<16xf32>
      %swap3A_531 = vector.shape_cast %broadcast_in_dim3A_525 : vector<16xf32> to vector<1x16xf32>
      tpu.vector_store %arg8[%swap3A_527, %swap3A_528], %swap3A_531 {strides = array<i32>} : memref<8x128xf32, #tpu.memory_space<vmem>>, vector<1x16xf32>,
      %broadcast_in_dim3A_532 = arith.constant 0.000000e+00 : f32
      %broadcast_in_dim3A_533 = vector.broadcast %broadcast_in_dim3A_532 : f32 to vector<16xf32>
      %swap3A_534 = arith.constant 7 : i32
      %swap3A_535 = arith.index_cast %swap3A_534 : i32 to index
      %swap3A_536 = arith.constant 48 : index
      %swap3A_537 = tpu.vector_load %arg8[%swap3A_535, %swap3A_536] {strides = array<i32>} : memref<8x128xf32, #tpu.memory_space<vmem>>, vector<1x16xf32>,
      %swap3A_538 = vector.shape_cast %swap3A_537 : vector<1x16xf32> to vector<16xf32>
      %swap3A_539 = vector.shape_cast %broadcast_in_dim3A_533 : vector<16xf32> to vector<1x16xf32>
      tpu.vector_store %arg8[%swap3A_535, %swap3A_536], %swap3A_539 {strides = array<i32>} : memref<8x128xf32, #tpu.memory_space<vmem>>, vector<1x16xf32>,
      %broadcast_in_dim3A_540 = arith.constant 0.000000e+00 : f32
      %broadcast_in_dim3A_541 = vector.broadcast %broadcast_in_dim3A_540 : f32 to vector<16xf32>
      %swap3A_542 = arith.constant 7 : i32
      %swap3A_543 = arith.index_cast %swap3A_542 : i32 to index
      %swap3A_544 = arith.constant 64 : index
      %swap3A_545 = tpu.vector_load %arg8[%swap3A_543, %swap3A_544] {strides = array<i32>} : memref<8x128xf32, #tpu.memory_space<vmem>>, vector<1x16xf32>,
      %swap3A_546 = vector.shape_cast %swap3A_545 : vector<1x16xf32> to vector<16xf32>
      %swap3A_547 = vector.shape_cast %broadcast_in_dim3A_541 : vector<16xf32> to vector<1x16xf32>
      tpu.vector_store %arg8[%swap3A_543, %swap3A_544], %swap3A_547 {strides = array<i32>} : memref<8x128xf32, #tpu.memory_space<vmem>>, vector<1x16xf32>,
      %broadcast_in_dim3A_548 = arith.constant 0.000000e+00 : f32
      %broadcast_in_dim3A_549 = vector.broadcast %broadcast_in_dim3A_548 : f32 to vector<16xf32>
      %swap3A_550 = arith.constant 7 : i32
      %swap3A_551 = arith.index_cast %swap3A_550 : i32 to index
      %swap3A_552 = arith.constant 80 : index
      %swap3A_553 = tpu.vector_load %arg8[%swap3A_551, %swap3A_552] {strides = array<i32>} : memref<8x128xf32, #tpu.memory_space<vmem>>, vector<1x16xf32>,
      %swap3A_554 = vector.shape_cast %swap3A_553 : vector<1x16xf32> to vector<16xf32>
      %swap3A_555 = vector.shape_cast %broadcast_in_dim3A_549 : vector<16xf32> to vector<1x16xf32>
      tpu.vector_store %arg8[%swap3A_551, %swap3A_552], %swap3A_555 {strides = array<i32>} : memref<8x128xf32, #tpu.memory_space<vmem>>, vector<1x16xf32>,
      %broadcast_in_dim3A_556 = arith.constant 0.000000e+00 : f32
      %broadcast_in_dim3A_557 = vector.broadcast %broadcast_in_dim3A_556 : f32 to vector<16xf32>
      %swap3A_558 = arith.constant 7 : i32
      %swap3A_559 = arith.index_cast %swap3A_558 : i32 to index
      %swap3A_560 = arith.constant 96 : index
      %swap3A_561 = tpu.vector_load %arg8[%swap3A_559, %swap3A_560] {strides = array<i32>} : memref<8x128xf32, #tpu.memory_space<vmem>>, vector<1x16xf32>,
      %swap3A_562 = vector.shape_cast %swap3A_561 : vector<1x16xf32> to vector<16xf32>
      %swap3A_563 = vector.shape_cast %broadcast_in_dim3A_557 : vector<16xf32> to vector<1x16xf32>
      tpu.vector_store %arg8[%swap3A_559, %swap3A_560], %swap3A_563 {strides = array<i32>} : memref<8x128xf32, #tpu.memory_space<vmem>>, vector<1x16xf32>,
      %broadcast_in_dim3A_564 = arith.constant 0.000000e+00 : f32
      %broadcast_in_dim3A_565 = vector.broadcast %broadcast_in_dim3A_564 : f32 to vector<16xf32>
      %swap3A_566 = arith.constant 7 : i32
      %swap3A_567 = arith.index_cast %swap3A_566 : i32 to index
      %swap3A_568 = arith.constant 112 : index
      %swap3A_569 = tpu.vector_load %arg8[%swap3A_567, %swap3A_568] {strides = array<i32>} : memref<8x128xf32, #tpu.memory_space<vmem>>, vector<1x16xf32>,
      %swap3A_570 = vector.shape_cast %swap3A_569 : vector<1x16xf32> to vector<16xf32>
      %swap3A_571 = vector.shape_cast %broadcast_in_dim3A_565 : vector<16xf32> to vector<1x16xf32>
      tpu.vector_store %arg8[%swap3A_567, %swap3A_568], %swap3A_571 {strides = array<i32>} : memref<8x128xf32, #tpu.memory_space<vmem>>, vector<1x16xf32>,
      %mul3A_572 = arith.constant 8 : i32
      %mul3A_573 = arith.muli %arg1, %mul3A_572 : i32
      %multiple_of3A = tpu.assume_multiple %mul3A_573, 8 : i32
      "tpu.region"() ({
        %run_scoped3A = tpu.sem_alloc : memref<!tpu.dma_semaphore, #tpu.memory_space<semaphore_mem>>
        %dma_start3A_574 = arith.constant 0 : i32
        %dma_start3A_575 = tpu.memref_slice %arg9[%multiple_of3A, %dma_start3A_574] : memref<64x128xf32, #tpu.memory_space<vmem_shared>> -> memref<8x128xf32, #tpu.memory_space<vmem_shared>>
        %dma_start3A_576 = arith.constant 0 : i32
        %dma_start3A_577 = tpu.memref_slice %arg9[%multiple_of3A, %dma_start3A_576] : memref<64x128xf32, #tpu.memory_space<vmem_shared>> -> memref<8x128xf32, #tpu.memory_space<vmem_shared>>
        tpu.enqueue_dma source(%arg8 : memref<8x128xf32, #tpu.memory_space<vmem>>) target(%dma_start3A_577 : memref<8x128xf32, #tpu.memory_space<vmem_shared>>) target_semaphore(%run_scoped3A : memref<!tpu.dma_semaphore, #tpu.memory_space<semaphore_mem>>)
        %dma_wait3A_578 = arith.constant 0 : i32
        %dma_wait3A_579 = tpu.memref_slice %arg9[%multiple_of3A, %dma_wait3A_578] : memref<64x128xf32, #tpu.memory_space<vmem_shared>> -> memref<8x128xf32, #tpu.memory_space<vmem_shared>>
        %dma_wait3A_580 = arith.constant 0 : i32
        %dma_wait3A_581 = tpu.memref_slice %arg9[%multiple_of3A, %dma_wait3A_580] : memref<64x128xf32, #tpu.memory_space<vmem_shared>> -> memref<8x128xf32, #tpu.memory_space<vmem_shared>>
        tpu.wait_dma2 semaphore(%run_scoped3A : memref<!tpu.dma_semaphore, #tpu.memory_space<semaphore_mem>>) src(%arg8 : memref<8x128xf32, #tpu.memory_space<vmem>>) dst(%dma_wait3A_581 : memref<8x128xf32, #tpu.memory_space<vmem_shared>>)
        tpu.yield
      }) : () -> ()
    } else {
    }
    %barrier3A = arith.constant 0 : index
    tpu.barrier barrier_id(%barrier3A)
    %dma_wait3A = arith.constant 0 : i32
    %dma_wait3A_38 = arith.constant 0 : i32
    %dma_wait3A_39 = tpu.memref_slice %arg7[%dma_wait3A, %dma_wait3A_38] : memref<256x128xf32, #tpu.memory_space<vmem>> -> memref<128x128xf32, #tpu.memory_space<vmem>>
    %dma_wait3A_40 = arith.constant 0 : i32
    %dma_wait3A_41 = tpu.memref_slice %arg2[%mul3A_6, %dma_wait3A_40] : memref<10000x128xf32, #tpu.memory_space<hbm>> -> memref<128x128xf32, #tpu.memory_space<hbm>>
    %dma_wait3A_42 = arith.constant 0 : i32
    %dma_wait3A_43 = arith.constant 0 : i32
    %dma_wait3A_44 = tpu.memref_slice %arg7[%dma_wait3A_42, %dma_wait3A_43] : memref<256x128xf32, #tpu.memory_space<vmem>> -> memref<128x128xf32, #tpu.memory_space<vmem>>
    %dma_wait3A_45 = arith.constant 0 : i32
    %dma_wait3A_46 = tpu.memref_slice %arg2[%mul3A_6, %dma_wait3A_45] : memref<10000x128xf32, #tpu.memory_space<hbm>> -> memref<128x128xf32, #tpu.memory_space<hbm>>
    tpu.wait_dma2 semaphore(%arg10 : memref<!tpu.dma_semaphore, #tpu.memory_space<semaphore_mem>>) src(%dma_wait3A_46 : memref<128x128xf32, #tpu.memory_space<hbm>>) dst(%dma_wait3A_44 : memref<128x128xf32, #tpu.memory_space<vmem>>)
    "tpu.region"() ({
      %run_scoped3A = tpu.sem_alloc : memref<!tpu.dma_semaphore, #tpu.memory_space<semaphore_mem>>
      %dma_start3A_62 = arith.constant 0 : i32
      %dma_start3A_63 = arith.constant 0 : i32
      %dma_start3A_64 = tpu.memref_slice %arg7[%dma_start3A_62, %dma_start3A_63] : memref<256x128xf32, #tpu.memory_space<vmem>> -> memref<128x128xf32, #tpu.memory_space<vmem>>
      %dma_start3A_65 = arith.constant 0 : i32
      %dma_start3A_66 = arith.constant 0 : i32
      %dma_start3A_67 = tpu.memref_slice %arg9[%dma_start3A_65, %dma_start3A_66] : memref<64x128xf32, #tpu.memory_space<vmem_shared>> -> memref<64x128xf32, #tpu.memory_space<vmem_shared>>
      tpu.enqueue_indirect_dma source(%dma_start3A_64 : memref<128x128xf32, #tpu.memory_space<vmem>>) target(%dma_start3A_67 : memref<64x128xf32, #tpu.memory_space<vmem_shared>>) offsets(%arg5 : memref<128xi32, #tpu.memory_space<vmem>>) semaphore(%run_scoped3A : memref<!tpu.dma_semaphore, #tpu.memory_space<semaphore_mem>>) {add = true}
      %dma_wait3A_68 = arith.constant 0 : i32
      %dma_wait3A_69 = arith.constant 0 : i32
      %dma_wait3A_70 = tpu.memref_slice %arg7[%dma_wait3A_68, %dma_wait3A_69] : memref<256x128xf32, #tpu.memory_space<vmem>> -> memref<128x128xf32, #tpu.memory_space<vmem>>
      %dma_wait3A_71 = arith.constant 0 : i32
      %dma_wait3A_72 = arith.constant 0 : i32
      %dma_wait3A_73 = tpu.memref_slice %arg9[%dma_wait3A_71, %dma_wait3A_72] : memref<64x128xf32, #tpu.memory_space<vmem_shared>> -> memref<64x128xf32, #tpu.memory_space<vmem_shared>>
      tpu.wait_indirect_dma semaphore(%run_scoped3A : memref<!tpu.dma_semaphore, #tpu.memory_space<semaphore_mem>>) src(%dma_wait3A_70 : memref<128x128xf32, #tpu.memory_space<vmem>>) dst(%dma_wait3A_73 : memref<64x128xf32, #tpu.memory_space<vmem_shared>>)
      tpu.yield
    }) : () -> ()
    %dma_wait3A_47 = arith.constant 128 : i32
    %dma_wait3A_48 = arith.constant 0 : i32
    %dma_wait3A_49 = tpu.memref_slice %arg7[%dma_wait3A_47, %dma_wait3A_48] : memref<256x128xf32, #tpu.memory_space<vmem>> -> memref<128x128xf32, #tpu.memory_space<vmem>>
    %dma_wait3A_50 = arith.constant 0 : i32
    %dma_wait3A_51 = tpu.memref_slice %arg2[%mul3A_19, %dma_wait3A_50] : memref<10000x128xf32, #tpu.memory_space<hbm>> -> memref<128x128xf32, #tpu.memory_space<hbm>>
    %dma_wait3A_52 = arith.constant 128 : i32
    %dma_wait3A_53 = arith.constant 0 : i32
    %dma_wait3A_54 = tpu.memref_slice %arg7[%dma_wait3A_52, %dma_wait3A_53] : memref<256x128xf32, #tpu.memory_space<vmem>> -> memref<128x128xf32, #tpu.memory_space<vmem>>
    %dma_wait3A_55 = arith.constant 0 : i32
    %dma_wait3A_56 = tpu.memref_slice %arg2[%mul3A_19, %dma_wait3A_55] : memref<10000x128xf32, #tpu.memory_space<hbm>> -> memref<128x128xf32, #tpu.memory_space<hbm>>
    tpu.wait_dma2 semaphore(%arg11 : memref<!tpu.dma_semaphore, #tpu.memory_space<semaphore_mem>>) src(%dma_wait3A_56 : memref<128x128xf32, #tpu.memory_space<hbm>>) dst(%dma_wait3A_54 : memref<128x128xf32, #tpu.memory_space<vmem>>)
    "tpu.region"() ({
      %run_scoped3A = tpu.sem_alloc : memref<!tpu.dma_semaphore, #tpu.memory_space<semaphore_mem>>
      %dma_start3A_62 = arith.constant 128 : i32
      %dma_start3A_63 = arith.constant 0 : i32
      %dma_start3A_64 = tpu.memref_slice %arg7[%dma_start3A_62, %dma_start3A_63] : memref<256x128xf32, #tpu.memory_space<vmem>> -> memref<128x128xf32, #tpu.memory_space<vmem>>
      %dma_start3A_65 = arith.constant 0 : i32
      %dma_start3A_66 = arith.constant 0 : i32
      %dma_start3A_67 = tpu.memref_slice %arg9[%dma_start3A_65, %dma_start3A_66] : memref<64x128xf32, #tpu.memory_space<vmem_shared>> -> memref<64x128xf32, #tpu.memory_space<vmem_shared>>
      tpu.enqueue_indirect_dma source(%dma_start3A_64 : memref<128x128xf32, #tpu.memory_space<vmem>>) target(%dma_start3A_67 : memref<64x128xf32, #tpu.memory_space<vmem_shared>>) offsets(%arg6 : memref<128xi32, #tpu.memory_space<vmem>>) semaphore(%run_scoped3A : memref<!tpu.dma_semaphore, #tpu.memory_space<semaphore_mem>>) {add = true}
      %dma_wait3A_68 = arith.constant 128 : i32
      %dma_wait3A_69 = arith.constant 0 : i32
      %dma_wait3A_70 = tpu.memref_slice %arg7[%dma_wait3A_68, %dma_wait3A_69] : memref<256x128xf32, #tpu.memory_space<vmem>> -> memref<128x128xf32, #tpu.memory_space<vmem>>
      %dma_wait3A_71 = arith.constant 0 : i32
      %dma_wait3A_72 = arith.constant 0 : i32
      %dma_wait3A_73 = tpu.memref_slice %arg9[%dma_wait3A_71, %dma_wait3A_72] : memref<64x128xf32, #tpu.memory_space<vmem_shared>> -> memref<64x128xf32, #tpu.memory_space<vmem_shared>>
      tpu.wait_indirect_dma semaphore(%run_scoped3A : memref<!tpu.dma_semaphore, #tpu.memory_space<semaphore_mem>>) src(%dma_wait3A_70 : memref<128x128xf32, #tpu.memory_space<vmem>>) dst(%dma_wait3A_73 : memref<64x128xf32, #tpu.memory_space<vmem_shared>>)
      tpu.yield
    }) : () -> ()
    %barrier3A_57 = arith.constant 0 : index
    tpu.barrier barrier_id(%barrier3A_57)
    %eq3A = arith.constant 0 : i32
    %eq3A_58 = arith.cmpi eq, %arg1, %eq3A : i32
    %convert_element_type3A_59 = arith.extui %eq3A_58 : i1 to i32
    %cond3A_60 = arith.constant 0 : i32
    %cond3A_61 = arith.cmpi ne, %convert_element_type3A_59, %cond3A_60 : i32
    scf.if %cond3A_61 {
      "tpu.region"() ({
        %run_scoped3A = tpu.sem_alloc : memref<!tpu.dma_semaphore, #tpu.memory_space<semaphore_mem>>
        %dma_start3A_62 = arith.constant 0 : i32
        %dma_start3A_63 = arith.constant 0 : i32
        %dma_start3A_64 = tpu.memref_slice %arg4[%arg0, %dma_start3A_62, %dma_start3A_63] : memref<1x64x128xf32, #tpu.memory_space<hbm>> -> memref<1x64x128xf32, #tpu.memory_space<hbm>>
        %dma_start3A_65 = tpu.memref_squeeze %dma_start3A_64 : memref<1x64x128xf32, #tpu.memory_space<hbm>> -> memref<64x128xf32, #tpu.memory_space<hbm>>
        tpu.enqueue_dma source(%arg9 : memref<64x128xf32, #tpu.memory_space<vmem_shared>>) target(%dma_start3A_65 : memref<64x128xf32, #tpu.memory_space<hbm>>) target_semaphore(%run_scoped3A : memref<!tpu.dma_semaphore, #tpu.memory_space<semaphore_mem>>)
        %dma_wait3A_66 = arith.constant 0 : i32
        %dma_wait3A_67 = arith.constant 0 : i32
        %dma_wait3A_68 = tpu.memref_slice %arg4[%arg0, %dma_wait3A_66, %dma_wait3A_67] : memref<1x64x128xf32, #tpu.memory_space<hbm>> -> memref<1x64x128xf32, #tpu.memory_space<hbm>>
        %dma_wait3A_69 = tpu.memref_squeeze %dma_wait3A_68 : memref<1x64x128xf32, #tpu.memory_space<hbm>> -> memref<64x128xf32, #tpu.memory_space<hbm>>
        tpu.wait_dma2 semaphore(%run_scoped3A : memref<!tpu.dma_semaphore, #tpu.memory_space<semaphore_mem>>) src(%arg9 : memref<64x128xf32, #tpu.memory_space<vmem_shared>>) dst(%dma_wait3A_69 : memref<64x128xf32, #tpu.memory_space<hbm>>)
        tpu.yield
      }) : () -> ()
    } else {
    }
    return
  }
}

module attributes {stable_mosaic.version = 14 : i64} {
  func.func @_tc_finish(%arg0: memref<1x64x128xf32, #tpu.memory_space<vmem>>, %arg1: memref<64x128xf32, #tpu.memory_space<vmem>>, %arg2: memref<64x128xf32, #tpu.memory_space<vmem>>, %arg3: memref<64x128xf32, #tpu.memory_space<vmem>>, %arg4: memref<256x256xf32, #tpu.memory_space<vmem>>, %arg5: memref<1x256xf32, #tpu.memory_space<vmem>>, %arg6: memref<256x256xf32, #tpu.memory_space<vmem>>, %arg7: memref<1x256xf32, #tpu.memory_space<vmem>>, %arg8: memref<256x128xf32, #tpu.memory_space<vmem>>, %arg9: memref<1x128xf32, #tpu.memory_space<vmem>>, %arg10: memref<64x128xf32, #tpu.memory_space<vmem>>) attributes {dimension_semantics = [], scalar_prefetch = 0 : i64, scratch_operands = 0 : i64, tpu.core_type = #tpu.core_type<tc>} {
    %get3A = arith.constant 0 : index
    %get3A_0 = arith.constant 0 : index
    %get3A_1 = arith.constant 0 : index
    %get3A_2 = vector.load %arg0[%get3A, %get3A_0, %get3A_1] : memref<1x64x128xf32, #tpu.memory_space<vmem>>, vector<1x64x128xf32>
    %reduce_sum3A = arith.constant dense<0.000000e+00> : vector<64x128xf32>
    %reduce_sum3A_3 = vector.multi_reduction <add>, %get3A_2, %reduce_sum3A [0] : vector<1x64x128xf32> to vector<64x128xf32>
    %get3A_4 = arith.constant 0 : index
    %get3A_5 = arith.constant 0 : index
    %get3A_6 = vector.load %arg1[%get3A_4, %get3A_5] : memref<64x128xf32, #tpu.memory_space<vmem>>, vector<64x128xf32>
    %add3A = arith.addf %reduce_sum3A_3, %get3A_6 : vector<64x128xf32>
    %get3A_7 = arith.constant 0 : index
    %get3A_8 = arith.constant 0 : index
    %get3A_9 = vector.load %arg2[%get3A_7, %get3A_8] : memref<64x128xf32, #tpu.memory_space<vmem>>, vector<64x128xf32>
    %max3A = arith.constant 1.000000e+00 : f32
    %max3A_10 = vector.broadcast %max3A : f32 to vector<64x128xf32>
    %max3A_11 = arith.maximumf %get3A_9, %max3A_10 : vector<64x128xf32>
    %div3A = arith.divf %add3A, %max3A_11 : vector<64x128xf32>
    %get3A_12 = arith.constant 0 : index
    %get3A_13 = arith.constant 0 : index
    %get3A_14 = vector.load %arg3[%get3A_12, %get3A_13] : memref<64x128xf32, #tpu.memory_space<vmem>>, vector<64x128xf32>
    %concatenate3A = tpu.concatenate %get3A_14, %div3A in 1 : vector<64x128xf32>, vector<64x128xf32> -> vector<64x256xf32>
    %get3A_15 = arith.constant 0 : index
    %get3A_16 = arith.constant 0 : index
    %get3A_17 = vector.load %arg4[%get3A_15, %get3A_16] : memref<256x256xf32, #tpu.memory_space<vmem>>, vector<256x256xf32>
    %dot_general3A = arith.constant dense<0.000000e+00> : vector<64x256xf32>
    %dot_general3A_18 = tpu.matmul %concatenate3A, %get3A_17, %dot_general3A {dimension_numbers = #tpu.dot_dimension_numbers<[1], [0], [0], [1], [0, 0, 1, 1], [], []>, transpose_lhs_hint = false} : vector<64x256xf32>, vector<256x256xf32>, vector<64x256xf32> -> vector<64x256xf32>
    %get3A_19 = arith.constant 0 : index
    %get3A_20 = arith.constant 0 : index
    %get3A_21 = vector.load %arg5[%get3A_19, %get3A_20] : memref<1x256xf32, #tpu.memory_space<vmem>>, vector<1x256xf32>
    %add3A_22 = vector.broadcast %get3A_21 : vector<1x256xf32> to vector<64x256xf32>
    %add3A_23 = arith.addf %dot_general3A_18, %add3A_22 : vector<64x256xf32>
    %max3A_24 = arith.constant 0.000000e+00 : f32
    %max3A_25 = vector.broadcast %max3A_24 : f32 to vector<64x256xf32>
    %max3A_26 = arith.maximumf %add3A_23, %max3A_25 : vector<64x256xf32>
    %get3A_27 = arith.constant 0 : index
    %get3A_28 = arith.constant 0 : index
    %get3A_29 = vector.load %arg6[%get3A_27, %get3A_28] : memref<256x256xf32, #tpu.memory_space<vmem>>, vector<256x256xf32>
    %dot_general3A_30 = arith.constant dense<0.000000e+00> : vector<64x256xf32>
    %dot_general3A_31 = tpu.matmul %max3A_26, %get3A_29, %dot_general3A_30 {dimension_numbers = #tpu.dot_dimension_numbers<[1], [0], [0], [1], [0, 0, 1, 1], [], []>, transpose_lhs_hint = false} : vector<64x256xf32>, vector<256x256xf32>, vector<64x256xf32> -> vector<64x256xf32>
    %get3A_32 = arith.constant 0 : index
    %get3A_33 = arith.constant 0 : index
    %get3A_34 = vector.load %arg7[%get3A_32, %get3A_33] : memref<1x256xf32, #tpu.memory_space<vmem>>, vector<1x256xf32>
    %add3A_35 = vector.broadcast %get3A_34 : vector<1x256xf32> to vector<64x256xf32>
    %add3A_36 = arith.addf %dot_general3A_31, %add3A_35 : vector<64x256xf32>
    %max3A_37 = arith.constant 0.000000e+00 : f32
    %max3A_38 = vector.broadcast %max3A_37 : f32 to vector<64x256xf32>
    %max3A_39 = arith.maximumf %add3A_36, %max3A_38 : vector<64x256xf32>
    %get3A_40 = arith.constant 0 : index
    %get3A_41 = arith.constant 0 : index
    %get3A_42 = vector.load %arg8[%get3A_40, %get3A_41] : memref<256x128xf32, #tpu.memory_space<vmem>>, vector<256x128xf32>
    %dot_general3A_43 = arith.constant dense<0.000000e+00> : vector<64x128xf32>
    %dot_general3A_44 = tpu.matmul %max3A_39, %get3A_42, %dot_general3A_43 {dimension_numbers = #tpu.dot_dimension_numbers<[1], [0], [0], [1], [0, 0, 1, 1], [], []>, transpose_lhs_hint = false} : vector<64x256xf32>, vector<256x128xf32>, vector<64x128xf32> -> vector<64x128xf32>
    %get3A_45 = arith.constant 0 : index
    %get3A_46 = arith.constant 0 : index
    %get3A_47 = vector.load %arg9[%get3A_45, %get3A_46] : memref<1x128xf32, #tpu.memory_space<vmem>>, vector<1x128xf32>
    %add3A_48 = vector.broadcast %get3A_47 : vector<1x128xf32> to vector<64x128xf32>
    %add3A_49 = arith.addf %dot_general3A_44, %add3A_48 : vector<64x128xf32>
    %swap3A = arith.constant 0 : index
    %swap3A_50 = arith.constant 0 : index
    %swap3A_51 = vector.load %arg10[%swap3A, %swap3A_50] : memref<64x128xf32, #tpu.memory_space<vmem>>, vector<64x128xf32>
    tpu.vector_store %arg10[%swap3A, %swap3A_50], %add3A_49 {strides = array<i32>} : memref<64x128xf32, #tpu.memory_space<vmem>>, vector<64x128xf32>,
    return
  }
}

module attributes {stable_mosaic.version = 14 : i64} {
  func.func @_tc_partial(%arg0: i32, %arg1: memref<5888x128xf32, #tpu.memory_space<vmem>>, %arg2: memref<16x128xf32, #tpu.memory_space<vmem>>, %arg3: memref<1x10000xi32, #tpu.memory_space<vmem>>, %arg4: memref<64x128xf32, #tpu.memory_space<vmem>>, %arg5: memref<64x128xf32, #tpu.memory_space<vmem>>) attributes {dimension_semantics = [#tpu.dimension_semantics<arbitrary>], iteration_bounds = array<i64: 1>, scalar_prefetch = 0 : i64, scratch_operands = 0 : i64, tpu.core_type = #tpu.core_type<tc>, window_params = [{transform_indices = @transform_0, window_bounds = array<i64: 5888, 128>}, {pipeline_mode = #tpu.pipeline_mode<synchronous>, transform_indices = @transform_1, window_bounds = array<i64: 16, 128>}, {pipeline_mode = #tpu.pipeline_mode<synchronous>, transform_indices = @transform_2, window_bounds = array<i64: 1, 10000>}, {pipeline_mode = #tpu.pipeline_mode<synchronous>, transform_indices = @transform_3, window_bounds = array<i64: 64, 128>}, {pipeline_mode = #tpu.pipeline_mode<synchronous>, transform_indices = @transform_4, window_bounds = array<i64: 64, 128>}]} {
    %get3A = arith.constant 0 : index
    %get3A_0 = arith.constant 0 : index
    %get3A_1 = vector.load %arg3[%get3A, %get3A_0] : memref<1x10000xi32, #tpu.memory_space<vmem>>, vector<1x10000xi32>
    %get3A_2 = vector.shape_cast %get3A_1 : vector<1x10000xi32> to vector<10000xi32>
    %iota3A = tpu.iota {dimensions = array<i32: 0>} : vector<64x10000xi32>
    %broadcast_in_dim3A = vector.shape_cast %get3A_2 : vector<10000xi32> to vector<1x10000xi32>
    %eq3A = vector.broadcast %broadcast_in_dim3A : vector<1x10000xi32> to vector<64x10000xi32>
    %eq3A_3 = arith.cmpi eq, %eq3A, %iota3A : vector<64x10000xi32>
    %convert_element_type3A = arith.extui %eq3A_3 : vector<64x10000xi1> to vector<64x10000xi32>
    %convert_element_type3A_4 = arith.sitofp %convert_element_type3A : vector<64x10000xi32> to vector<64x10000xf32>
    %reduce_sum3A = arith.constant dense<0.000000e+00> : vector<64xf32>
    %reduce_sum3A_5 = vector.multi_reduction <add>, %convert_element_type3A_4, %reduce_sum3A [1] : vector<64x10000xf32> to vector<64xf32>
    %broadcast_in_dim3A_6 = vector.shape_cast %reduce_sum3A_5 : vector<64xf32> to vector<64x1xf32>
    %broadcast_in_dim3A_7 = arith.constant 1.000000e+00 : f32
    %broadcast_in_dim3A_8 = vector.broadcast %broadcast_in_dim3A_7 : f32 to vector<1x128xf32>
    %mul3A = vector.broadcast %broadcast_in_dim3A_6 : vector<64x1xf32> to vector<64x128xf32>
    %mul3A_9 = vector.broadcast %broadcast_in_dim3A_8 : vector<1x128xf32> to vector<64x128xf32>
    %mul3A_10 = arith.mulf %mul3A, %mul3A_9 : vector<64x128xf32>
    %swap3A = arith.constant 0 : index
    %swap3A_11 = arith.constant 0 : index
    %swap3A_12 = vector.load %arg5[%swap3A, %swap3A_11] : memref<64x128xf32, #tpu.memory_space<vmem>>, vector<64x128xf32>
    tpu.vector_store %arg5[%swap3A, %swap3A_11], %mul3A_10 {strides = array<i32>} : memref<64x128xf32, #tpu.memory_space<vmem>>, vector<64x128xf32>,
    %slice3A = vector.extract_strided_slice %convert_element_type3A_4 {offsets = [0, 0], sizes = [64, 5888], strides = [1, 1]} : vector<64x10000xf32> to vector<64x5888xf32>
    %get3A_13 = arith.constant 0 : index
    %get3A_14 = arith.constant 0 : index
    %get3A_15 = vector.load %arg1[%get3A_13, %get3A_14] : memref<5888x128xf32, #tpu.memory_space<vmem>>, vector<5888x128xf32>
    %dot_general3A = arith.constant dense<0.000000e+00> : vector<64x128xf32>
    %dot_general3A_16 = tpu.matmul %slice3A, %get3A_15, %dot_general3A {dimension_numbers = #tpu.dot_dimension_numbers<[1], [0], [0], [1], [0, 0, 1, 1], [], []>, transpose_lhs_hint = false} : vector<64x5888xf32>, vector<5888x128xf32>, vector<64x128xf32> -> vector<64x128xf32>
    %slice3A_17 = vector.extract_strided_slice %convert_element_type3A_4 {offsets = [0, 9984], sizes = [64, 16], strides = [1, 1]} : vector<64x10000xf32> to vector<64x16xf32>
    %get3A_18 = arith.constant 0 : index
    %get3A_19 = arith.constant 0 : index
    %get3A_20 = vector.load %arg2[%get3A_18, %get3A_19] : memref<16x128xf32, #tpu.memory_space<vmem>>, vector<16x128xf32>
    %dot_general3A_21 = arith.constant dense<0.000000e+00> : vector<64x128xf32>
    %dot_general3A_22 = tpu.matmul %slice3A_17, %get3A_20, %dot_general3A_21 {dimension_numbers = #tpu.dot_dimension_numbers<[1], [0], [0], [1], [0, 0, 1, 1], [], []>, transpose_lhs_hint = false} : vector<64x16xf32>, vector<16x128xf32>, vector<64x128xf32> -> vector<64x128xf32>
    %add3A = arith.addf %dot_general3A_16, %dot_general3A_22 : vector<64x128xf32>
    %swap3A_23 = arith.constant 0 : index
    %swap3A_24 = arith.constant 0 : index
    %swap3A_25 = vector.load %arg4[%swap3A_23, %swap3A_24] : memref<64x128xf32, #tpu.memory_space<vmem>>, vector<64x128xf32>
    tpu.vector_store %arg4[%swap3A_23, %swap3A_24], %add3A {strides = array<i32>} : memref<64x128xf32, #tpu.memory_space<vmem>>, vector<64x128xf32>,
    return
  }
  func.func @transform_0(%arg0: i32) -> (i32, i32) {
    %c0_i32 = arith.constant 0 : i32
    %c0_i32_0 = arith.constant 0 : i32
    %c0_i32_1 = arith.constant 0 : i32
    return %c0_i32, %c0_i32_0 : i32, i32
  }
  func.func @transform_1(%arg0: i32) -> (i32, i32) {
    %c0_i32 = arith.constant 0 : i32
    %c0_i32_0 = arith.constant 0 : i32
    %c0_i32_1 = arith.constant 0 : i32
    return %c0_i32, %c0_i32_0 : i32, i32
  }
  func.func @transform_2(%arg0: i32) -> (i32, i32) {
    %c0_i32 = arith.constant 0 : i32
    %c0_i32_0 = arith.constant 0 : i32
    %c0_i32_1 = arith.constant 0 : i32
    return %c0_i32, %c0_i32_0 : i32, i32
  }
  func.func @transform_3(%arg0: i32) -> (i32, i32) {
    %c0_i32 = arith.constant 0 : i32
    %c0_i32_0 = arith.constant 0 : i32
    %c0_i32_1 = arith.constant 0 : i32
    return %c0_i32, %c0_i32_0 : i32, i32
  }
  func.func @transform_4(%arg0: i32) -> (i32, i32) {
    %c0_i32 = arith.constant 0 : i32
    %c0_i32_0 = arith.constant 0 : i32
    %c0_i32_1 = arith.constant 0 : i32
    return %c0_i32, %c0_i32_0 : i32, i32
  }
}

</mosaic_0001>

<sc_bundles>
// kernel: kernel.5.cloned.1.call-start
scs
__scs_entry_jumppad:
0x0: {  	(pc) =	sbr.rel $0x88, $3  }
0x1: {  	(tag) =	ssettag $0x0;
	lr =	simm.s32 $0x1  }
0x2: {  	[smem:$0x3F98] =	sst lr;
	_ =	strace $0xD0000000  }
0x3: {  	_ = 	snop  }
0x4: {  	_ = 	snop  }
0x5: {  	_ = 	snop  }
0x6: {  	_ = 	snop  }
0x7: {  	_ = 	snop  }
__scs_overlays_trampoline_lowered:
0x8: {  	[smem:$0x3FA7] =	sst s0  }
0x9: {  	[smem:$0x3FA8] =	sst s1  }
0xa: {  	[smem:$0x3FA9] =	sst s2  }
0xb: {  	[smem:$0x3FAA] =	sst s3  }
0xc: {  	[smem:$0x3FAB] =	sst s4  }
0xd: {  	[smem:$0x3FAC] =	sst s5  }
0xe: {  	[smem:$0x3FAD] =	sst s6  }
0xf: {  	[smem:$0x3FAE] =	sst s7  }
0x10: {  	[smem:$0x3FAF] =	sst s8  }
0x11: {  	[smem:$0x3FB0] =	sst s9;
	s0 =	simm.s32 @!p0 $0x0  }
0x12: {  	s1 =	sld [smem:$0x3F96];
	s0 =	simm.s32 @p0 $0x1  }
0x13: {  	[smem:$0x3FB1] =	sst s0;
	s0 =	simm.s32 @!p1 $0x0  }
0x14: {  	s2 =	sld [smem:$0x3F95];
	s0 =	simm.s32 @p1 $0x1  }
0x15: {  	[smem:$0x3FB2] =	sst s0;
	s0 =	simm.s32 @!p2 $0x0  }
0x16: {  	s3 =	sld [smem:$0x3FDB];
	s0 =	simm.s32 @p2 $0x1  }
0x17: {  	s4 =	simm.s32 $0x1BF5;
	[smem:$0x3FB4] =	sst s0  }
0x18: {  	s0 =	sld [smem:$0x3F97];
	_ =	swait.ge [sflag:s4], $0x0  }
0x19: {  	s7 =	sld [smem:$0x3F98]  }
0x1a: {  	s8 =	sadd.s32 $0xFFFFE003, lr  }
0x1b: {  	s9 =	sadd.s32 $0xFFFFFEF7, lr;
	s5 =	simm.s32 $0xFFFFFFFF;
	p2 =	slt.u32 s8, $0xFFFFF086  }
0x1c: {  	p1 =	slt.u32 s9, $0xF7A;
	s5 =	simm.s32 @!p2 $0x0  }
0x1d: {  	s5 =	simm.s32 @p1 $0x1;
	p0 =	seq.s32 s7, s2  }
0x1e: {  	s7 =	smul.u32 @!p0 $0xF7A, s2;
	p2 =	seq.s32 @!p0 s5, $0x0  }
0x1f: {  	s9 =	smul.u32 $0xF7A, s1;
	s8 =	simm.s32 @!p0 $0x1BF5;
	p2 =	por !p2, p0  }
0x20: {  	[sflag:s8] =	ssyncset.s32 @!p0 $0xFFFFF086;
	s6 =	sadd.s32 @!p0 s3, s7;
	s7 =	simm.s32 @!p0 $0x108  }
0x21: {  	s3 =	sadd.s32 s3, s9;
	s6 =	sadd.s32 @!p0 $0x88, s6;
	s7 =	simm.s32 @p2 $0x1082  }
0x22: {  	[simem:s7], [sflag:s8] =	dma.local @!p0 [hbm:s6], $0xF7A  }
0x23: {  	s9 =	sor.u32 $0xD0000000, s2;
	s6 =	simm.s32 $0x108;
	_ =	swait.ge @!p0 [sflag:s8], $0x0  }
0x24: {  	s3 =	sadd.s32 $0x88, s3;
	s6 =	simm.s32 @!p1 $0x1082;
	[sflag:s4] =	ssyncset.s32 $0xFFFFF086  }
0x25: {  	[simem:s6], [sflag:s4] =	dma.local [hbm:s3], $0xF7A  }
0x26: {  	[smem:$0x3F98] =	sst s1;
	(tag) =	ssettag s2;
	_ =	strace s9  }
0x27: {  	s1 =	sld [smem:$0x3FA8]  }
0x28: {  	s2 =	sld [smem:$0x3FA9]  }
0x29: {  	s4 =	sld [smem:$0x3FAB]  }
0x2a: {  	p0 =	seq.s32 s5, $0x0;
	s5 =	sld [smem:$0x3FAC]  }
0x2b: {  	s6 =	sld [smem:$0x3FAD]  }
0x2c: {  	s7 =	sld [smem:$0x3FAE]  }
0x2d: {  	s3 =	simm.s32 $0x108;
	s8 =	sld [smem:$0x3FAF]  }
0x2e: {  	s3 =	simm.s32 @!p0 $0x1082;
	s9 =	sld [smem:$0x3FB0]  }
0x2f: {  	lr =	sadd.s32 s0, s3;
	s0 =	sld [smem:$0x3FA7]  }
0x30: {  	s3 =	sld [smem:$0x3FAA]  }
0x31: {  	[smem:$0x3FB3] =	sst s10  }
0x32: {  	s10 =	sld [smem:$0x3FB1];
	_ =	sdelay $0x3  }
0x33: {  	p0 =	seq.s32 s10, $0x1;
	s10 =	sld [smem:$0x3FB3];
	_ =	sdelay $0x3  }
0x34: {  	[smem:$0x3FB3] =	sst s10  }
0x35: {  	s10 =	sld [smem:$0x3FB2];
	_ =	sdelay $0x3  }
0x36: {  	p1 =	seq.s32 s10, $0x1;
	s10 =	sld [smem:$0x3FB3];
	_ =	sdelay $0x3  }
0x37: {  	[smem:$0x3FB3] =	sst s10  }
0x38: {  	s10 =	sld [smem:$0x3FB4]  }
0x39: {  	_ = 	snop;
	(pc) =	sbr.ind lr, $3  }
0x3a: {  	_ = 	snop  }
0x3b: {  	_ = 	snop  }
0x3c: {  	p2 =	seq.s32 s10, $0x1;
	s10 =	sld [smem:$0x3FB3]  }
0x3d: {  	_ =	shalt  }
0x3e: {  	_ =	shalt  }
0x3f: {  	_ =	shalt  }
0x40: {  	_ =	shalt  }
0x41: {  	_ =	shalt  }
0x42: {  	_ =	shalt  }
0x43: {  	_ =	shalt  }
0x44: {  	_ =	shalt  }
0x45: {  	_ =	shalt  }
0x46: {  	_ =	shalt  }
0x47: {  	_ =	shalt  }
0x48: {  	_ =	shalt  }
0x49: {  	_ =	shalt  }
0x4a: {  	_ =	shalt  }
0x4b: {  	_ =	shalt  }
0x4c: {  	_ =	shalt  }
0x4d: {  	_ =	shalt  }
0x4e: {  	_ =	shalt  }
0x4f: {  	_ =	shalt  }
0x50: {  	_ =	shalt  }
0x51: {  	_ =	shalt  }
0x52: {  	_ =	shalt  }
0x53: {  	_ =	shalt  }
0x54: {  	_ =	shalt  }
0x55: {  	_ =	shalt  }
0x56: {  	_ =	shalt  }
0x57: {  	_ =	shalt  }
0x58: {  	_ =	shalt  }
0x59: {  	_ =	shalt  }
0x5a: {  	_ =	shalt  }
0x5b: {  	_ =	shalt  }
0x5c: {  	_ =	shalt  }
0x5d: {  	_ =	shalt  }
0x5e: {  	_ =	shalt  }
0x5f: {  	_ =	shalt  }
0x60: {  	_ =	shalt  }
0x61: {  	_ =	shalt  }
0x62: {  	_ =	shalt  }
0x63: {  	_ =	shalt  }
0x64: {  	_ =	shalt  }
0x65: {  	_ =	shalt  }
0x66: {  	_ =	shalt  }
0x67: {  	_ =	shalt  }
0x68: {  	_ =	shalt  }
0x69: {  	_ =	shalt  }
0x6a: {  	_ =	shalt  }
0x6b: {  	_ =	shalt  }
0x6c: {  	_ =	shalt  }
0x6d: {  	_ =	shalt  }
0x6e: {  	_ =	shalt  }
0x6f: {  	_ =	shalt  }
0x70: {  	_ =	shalt  }
0x71: {  	_ =	shalt  }
0x72: {  	_ =	shalt  }
0x73: {  	_ =	shalt  }
0x74: {  	_ =	shalt  }
0x75: {  	_ =	shalt  }
0x76: {  	_ =	shalt  }
0x77: {  	_ =	shalt  }
0x78: {  	_ =	shalt  }
0x79: {  	_ =	shalt  }
0x7a: {  	_ =	shalt  }
0x7b: {  	_ =	shalt  }
0x7c: {  	_ =	shalt  }
0x7d: {  	_ =	shalt  }
0x7e: {  	_ =	shalt  }
0x7f: {  	_ =	shalt  }
0x80: {  	_ =	shalt  }
0x81: {  	_ =	shalt  }
0x82: {  	_ =	shalt  }
0x83: {  	_ =	shalt  }
0x84: {  	_ =	shalt  }
0x85: {  	_ =	shalt  }
0x86: {  	_ =	shalt  }
0x87: {  	_ =	shalt  }
.Lfunc_end0:
.L_simem_size_0:
called_computation_lowered:
.L_overlay_start_0:
0x88: {  	s0 =	sld [smem:$0x3FD9]  }
0x89: {  	s1 =	sld [smem:$0x3FFE];
	_ =	sdelay $0x3  }
0x8a: {  	s0 =	sadd.s32 s1, s0  }
0x8b: {  	[smem:$0x3FBF] =	sst s0  }
0x8c: {  	_ = 	snop  }
0x8d: {  	s0 =	sld [smem:$0x3FC9]  }
0x8e: {  	s17 =	sld [smem:$0x3FC7]  }
0x8f: {  	s2 =	sld [smem:$0x3FD0];
	(tm) =	ssettm $0x1  }
0x90: {  	s3 =	sld [smem:$0x3FFB];
	_ =	sdelay $0x3  }
0x91: {  	_ =	strace s3  }
0x92: {  	s3 =	sld [smem:$0x3FFC];
	_ =	sdelay $0x3  }
0x93: {  	_ =	strace s3  }
0x94: {  	s3 =	sld [smem:$0x3FFD];
	_ =	sdelay $0x3  }
0x95: {  	_ =	strace s3  }
0x96: {  	_ =	strace $0x8FFFFFFF  }
0x97: {  	s18 =	sld [smem:$0x3FDB];
	_ =	sdelay $0x1  }
0x98: {  	s4 =	simm.s32 $_scs_section_size  }
0x99: {  	s5 =	simm.s32 $_size__tile_overlayer_lowered;
	s6 =	simm.s32 $_tile_overlayer_lowered  }
0x9a: {  	s21 =	simm.s32 $0x1BFF;
	s20 =	sshll.u32 s6, $0x1;
	s3 =	sadd.s32 s4, s18  }
0x9b: {  	s7 =	simm.s32 $0x0;
	s19 =	sshll.u32 s5, $0x1;
	s5 =	sadd.s32 s20, s3  }
0x9c: {  	[timem:s7], [sflag:s21] =	dma.local [hbm:s5], s19  }
0x9d: {  	_ =	swait.ge [sflag:s21], s19  }
0x9e: {  	s4 =	ssub.s32 $0x0, s19;
	[sflag:s21] =	ssyncset.done $0x0  }
0x9f: {  	[sflag:s21] =	ssyncadd.s32 s4;
	_ =	sdelay $0x1  }
0xa0: {  	s22 =	simm.s32 $0x1B8B  }
0xa1: {  	_ =	swait.ge [sflag:s22], $0x1  }
0xa2: {  	[sflag:s22] =	ssyncset.done $0x0  }
0xa3: {  	s23 =	simm.s32 $0x1B8E;
	[sflag:s22] =	ssyncadd.s32 $0xFFFFFFFF  }
0xa4: {  	s24 =	simm.s32 $execute0_lowered;
	[smem:$0x3FD2] =	sst s23  }
0xa5: {  	s4 =	sshll.u32 s24, $0x1;
	_ =	strace $0x80000046;
	[dreg:$0x1] =	wrdreg $0xFFFFFFFF  }
0xa6: {  	s25 =	simm.s32 $_size_execute0_lowered;
	s3 =	sadd.s32 s3, s4;
	[dreg:$0x0] =	wrdreg $0x0  }
0xa7: {  	s4 =	sshll.u32 s25, $0x1;
	[dreg:$0x2] =	wrdreg s3  }
0xa8: {  	[dreg:$0x3] =	wrdreg s4  }
0xa9: {  	[dreg:$0x4] =	wrdreg $0xC0  }
0xaa: {  	_ =	task [dreg:s7], $0x5FFFF  }
0xab: {  	[dreg:$0x1] =	wrdreg $0xFFFFFFFF  }
0xac: {  	[dreg:$0x0] =	wrdreg $0x60  }
0xad: {  	[dreg:$0x2] =	wrdreg s0  }
0xae: {  	[dreg:$0x3] =	wrdreg s17  }
0xaf: {  	[dreg:$0x4] =	wrdreg s2  }
0xb0: {  	[dreg:$0x5] =	wrdreg $0x85000  }
0xb1: {  	[dreg:$0x6] =	wrdreg $0x9  }
0xb2: {  	_ =	task.clear_ibuf [dreg:s7], $0x7FFFF;
	_ =	strace $0x90000046  }
0xb3: {  	s26 =	simm.s32 $0x9;
	_ =	strace $0x80000048  }
0xb4: {  	_ =	swait.ge [sflag:s26], $0x1  }
0xb5: {  	[sflag:s26] =	ssyncadd.s32 $0xFFFFFFFF  }
0xb6: {  	_ =	strace $0x90000048  }
0xb7: {  	_ =	sfence  }
0xb8: {  	s28 =	sld [smem:$0x0];
	_ =	sdelay $0x1  }
0xb9: {  	s29 =	srdreg.scid  }
0xba: {  	s30 =	sshll.u32 s29, $0xD;
	s31 =	sshrl.u32 s29, $0x2  }
0xbb: {  	s1 =	sand.u32 $0x1, s29;
	s2 =	sand.u32 $0x4000, s30;
	s0 =	sadd.s32 s31, s28  }
0xbc: {  	s1 =	sor.u32 s2, s1;
	s0 =	sshll.u32 s0, $0x11  }
0xbd: {  	s0 =	sor.u32 s0, s1  }
0xbe: {  	s0 =	sadd.s32 $0x8F2B, s0  }
0xbf: {  	[sflag:s0] =	ssyncadd.remote.s32 $0x1  }
0xc0: {  	_ =	sfence.sel $0xFFFF  }
0xc1: {  	[dreg:$0x0] =	wrdreg $0xFFFFFFFF;
	(pc) =	sbr.abs _section_cstart, $3  }
0xc2: {  	[dreg:$0x1] =	wrdreg $0xFFFFFFFF  }
0xc3: {  	_ =	task.clear_ibuf [dreg:s7], $0x2FFFF;
	_ =	strace $0x9FFFFFFF  }
0xc4: {  	(tm) =	ssettm $0x7FFFFFFF  }
0xc5: {  	_ =	shalt  }
tec
execute0_lowered:
.L_overlay_start_1:
0x0: {  	(tag) =	ssettag $0x1  }
0x1: {  	s5 =	rddreg [dreg:$0x0]  }
0x2: {  	s8 =	rddreg [dreg:$0x1]  }
0x3: {  	s1 =	rddreg [dreg:$0x2]  }
0x4: {  	s2 =	rddreg [dreg:$0x3];
	s3 =	stileid.u32  }
0x5: {  	s0 =	rddreg [dreg:$0x4];
	s4 =	simm.s32 $0x0;
	s6 =	sshll.u32 s3, $0x8  }
0x6: {  	[smem:$0x7FF] =	sst s4;
	s9 =	sadd.s32 $0x1700, s6  }
0x7: {  	_ =	strace $0x80000047;
	s11 =	sadd.s32 $0x1780, s6;
	s7 =	sshll.u32 s9, $0x4  }
0x8: {  	s6 =	sshll.u32 s11, $0x4;
	s10 =	sadd.s32 s5, s7;
	s7 =	simm.s32 $0x100  }
0x9: {  	[tilespmem:s7], [sflag:$0x1] =	stream.linear.gather [hbm4b:s10+s4], $0x4000, $0x38;
	[tilespmem:$0x8700] =	vst v63  }
0xa: {  	s9 =	sshrl.u32 s9, $0x3;
	s6 =	sadd.s32 s5, s6;
	s5 =	simm.s32 $0x4100  }
0xb: {  	[tilespmem:s5], [sflag:$0x2] =	stream.linear.gather [hbm4b:s6+s4], $0x4000, $0x38;
	[tilespmem:$0x8700] =	vst v63  }
0xc: {  	s30 =	sadd.s32 s8, s9;
	s6 =	simm.s32 $0x3  }
0xd: {  	[tilespmem:s4], [sflag:$0x3] =	stream.linear.gather [hbm4b:s30+s4], $0x80, $0x38;
	[tilespmem:$0x8700] =	vst v63  }
0xe: {  	s31 =	sshrl.u32 s11, $0x3;
	_ =	swait.ge [sflag:s6], $0x80  }
0xf: {  	p0 =	sgt.u32 s3, $0x7;
	s9 =	sadd.s32 s8, s31;
	[sflag:s6] =	ssyncset.done $0x0  }
.Ltmp0:
0x10: {  	s8 =	simm.s32 $0x80;
	[sflag:s6] =	ssyncadd.s32 $0xFFFFFF80;
	(pc) =	sbr.rel @p0 .LBB2_2-.Ltmp0, $4  }
0x11: {  	[tilespmem:s8], [sflag:$0x3] =	stream.linear.gather [hbm4b:s9+s4], $0x80, $0x38;
	[tilespmem:$0x8700] =	vst v63  }
0x12: {  	_ =	swait.ge [sflag:s6], $0x80  }
0x13: {  	[sflag:s6] =	ssyncset.done $0x0  }
0x14: {  	[sflag:s6] =	ssyncadd.s32 $0xFFFFFF80  }
0x15: {  	v0 =	vimm.f32 $0.0e+00  }
0x16: {  	[tilespmem:$0x8100] =	vst v0  }
0x17: {  	[tilespmem:$0x8110] =	vst v0  }
0x18: {  	[tilespmem:$0x8120] =	vst v0  }
0x19: {  	[tilespmem:$0x8130] =	vst v0  }
0x1a: {  	[tilespmem:$0x8140] =	vst v0  }
0x1b: {  	[tilespmem:$0x8150] =	vst v0  }
0x1c: {  	[tilespmem:$0x8160] =	vst v0  }
0x1d: {  	[tilespmem:$0x8170] =	vst v0  }
0x1e: {  	[tilespmem:$0x8180] =	vst v0  }
0x1f: {  	[tilespmem:$0x8190] =	vst v0  }
0x20: {  	[tilespmem:$0x81A0] =	vst v0  }
0x21: {  	[tilespmem:$0x81B0] =	vst v0  }
0x22: {  	[tilespmem:$0x81C0] =	vst v0  }
0x23: {  	[tilespmem:$0x81D0] =	vst v0  }
0x24: {  	[tilespmem:$0x81E0] =	vst v0  }
0x25: {  	[tilespmem:$0x81F0] =	vst v0  }
0x26: {  	[tilespmem:$0x8200] =	vst v0  }
0x27: {  	[tilespmem:$0x8210] =	vst v0  }
0x28: {  	[tilespmem:$0x8220] =	vst v0  }
0x29: {  	[tilespmem:$0x8230] =	vst v0  }
0x2a: {  	[tilespmem:$0x8240] =	vst v0  }
0x2b: {  	[tilespmem:$0x8250] =	vst v0  }
0x2c: {  	[tilespmem:$0x8260] =	vst v0  }
0x2d: {  	[tilespmem:$0x8270] =	vst v0  }
0x2e: {  	[tilespmem:$0x8280] =	vst v0  }
0x2f: {  	[tilespmem:$0x8290] =	vst v0  }
0x30: {  	[tilespmem:$0x82A0] =	vst v0  }
0x31: {  	[tilespmem:$0x82B0] =	vst v0  }
0x32: {  	[tilespmem:$0x82C0] =	vst v0  }
0x33: {  	[tilespmem:$0x82D0] =	vst v0  }
0x34: {  	[tilespmem:$0x82E0] =	vst v0  }
0x35: {  	[tilespmem:$0x82F0] =	vst v0  }
0x36: {  	[tilespmem:$0x8300] =	vst v0  }
0x37: {  	[tilespmem:$0x8310] =	vst v0  }
0x38: {  	[tilespmem:$0x8320] =	vst v0  }
0x39: {  	[tilespmem:$0x8330] =	vst v0  }
0x3a: {  	[tilespmem:$0x8340] =	vst v0  }
0x3b: {  	[tilespmem:$0x8350] =	vst v0  }
0x3c: {  	[tilespmem:$0x8360] =	vst v0  }
0x3d: {  	[tilespmem:$0x8370] =	vst v0  }
0x3e: {  	[tilespmem:$0x8380] =	vst v0  }
0x3f: {  	[tilespmem:$0x8390] =	vst v0  }
0x40: {  	[tilespmem:$0x83A0] =	vst v0  }
0x41: {  	[tilespmem:$0x83B0] =	vst v0  }
0x42: {  	[tilespmem:$0x83C0] =	vst v0  }
0x43: {  	[tilespmem:$0x83D0] =	vst v0  }
0x44: {  	[tilespmem:$0x83E0] =	vst v0  }
0x45: {  	[tilespmem:$0x83F0] =	vst v0  }
0x46: {  	[tilespmem:$0x8400] =	vst v0  }
0x47: {  	[tilespmem:$0x8410] =	vst v0  }
0x48: {  	[tilespmem:$0x8420] =	vst v0  }
0x49: {  	[tilespmem:$0x8430] =	vst v0  }
0x4a: {  	[tilespmem:$0x8440] =	vst v0  }
0x4b: {  	[tilespmem:$0x8450] =	vst v0  }
0x4c: {  	[tilespmem:$0x8460] =	vst v0  }
0x4d: {  	[tilespmem:$0x8470] =	vst v0  }
0x4e: {  	[tilespmem:$0x8480] =	vst v0  }
0x4f: {  	[tilespmem:$0x8490] =	vst v0  }
0x50: {  	[tilespmem:$0x84A0] =	vst v0  }
0x51: {  	[tilespmem:$0x84B0] =	vst v0  }
0x52: {  	[tilespmem:$0x84C0] =	vst v0  }
0x53: {  	[tilespmem:$0x84D0] =	vst v0  }
0x54: {  	s9 =	sshll.u32 s3, $0xA;
	[tilespmem:$0x84E0] =	vst v0  }
0x55: {  	s10 =	simm.s32 $0x8100;
	s9 =	sadd.s32 s9, s2;
	[tilespmem:$0x84F0] =	vst v0  }
0x56: {  	[spmem:s9] =	stream.linear.scatter [tilespmem:s10], [sflag:$0x3], $0x400, $0x38;
	[tilespmem:$0x8700] =	vst v63  }
0x57: {  	_ =	swait.ge [sflag:s6], $0x400  }
0x58: {  	[sflag:s6] =	ssyncset.done $0x0  }
0x59: {  	[sflag:s6] =	ssyncadd.s32 $0xFFFFFC00  }
.LBB2_2:
0x5a: {  	[bflag:$0x0] =	sbarrier.arrive $0xFFFF;
	s9 =	simm.s32 $0x1  }
0x5b: {  	_ =	swait.ge [sflag:s9], $0x4000  }
0x5c: {  	[sflag:s9] =	ssyncset.done $0x0  }
0x5d: {  	[sflag:s9] =	ssyncadd.s32 $0xFFFFC000  }
0x5e: {  	[spmem:s2] =	stream.indirect.scatter.add.f32 [tilespmem:s7], [sflag:$0x3], $0x80, s4, s8, $0xb8;
	[tilespmem:$0x8700] =	vst v63  }
0x5f: {  	_ =	swait.ge [sflag:s6], $0x4000  }
0x60: {  	[sflag:s6] =	ssyncset.done $0x0  }
0x61: {  	s31 =	simm.s32 $0x2;
	[sflag:s6] =	ssyncadd.s32 $0xFFFFC000  }
0x62: {  	_ =	swait.ge [sflag:s31], $0x4000  }
0x63: {  	[sflag:s31] =	ssyncset.done $0x0  }
0x64: {  	[sflag:s31] =	ssyncadd.s32 $0xFFFFC000  }
0x65: {  	[spmem:s2] =	stream.indirect.scatter.add.f32 [tilespmem:s5], [sflag:$0x3], $0x80, s8, s8, $0xb8;
	[tilespmem:$0x8700] =	vst v63  }
0x66: {  	_ =	swait.ge [sflag:s6], $0x4000  }
0x67: {  	[sflag:s6] =	ssyncset.done $0x0  }
0x68: {  	[sflag:s6] =	ssyncadd.s32 $0xFFFFC000  }
0x69: {  	p0 =	sne.s32 s3, $0x0;
	[bflag:$0x0] =	sbarrier.arrive $0xFFFF  }
0x6a: {  	_ =	sfence.sel @p0 $0x180000  }
0x6b: {  	[bflag:$0x0] =	sbarrier.arrive @p0 $0xFFFF  }
0x6c: {  	_ =	strace @p0 $0x90000047  }
0x6d: {  	s3 =	simm.s32 @!p0 $0x1C03;
	s2 =	sshrl.u32 @!p0 s2, $0x3;
	[bflag:$0x2] =	sbarrier.arrive @p0 $0xFFFF  }
0x6e: {  	[hbm:s1], [sflag:s3] =	dma.local @!p0 [spmem:s2], $0x400  }
0x6f: {  	s1 =	simm.s32 @!p0 $0x3  }
0x70: {  	_ =	swait.ge @!p0 [sflag:s1], $0x400  }
0x71: {  	[sflag:s1] =	ssyncset.done @!p0 $0x0  }
0x72: {  	[sflag:s1] =	ssyncadd.s32 @!p0 $0xFFFFFC00  }
0x73: {  	_ =	sfence.sel @!p0 $0x180000  }
0x74: {  	[bflag:$0x0] =	sbarrier.arrive @!p0 $0xFFFF  }
0x75: {  	_ =	strace @!p0 $0x90000047  }
0x76: {  	s0 =	sadd.s32 @!p0 $0x100000, s0;
	[bflag:$0x2] =	sbarrier.arrive @!p0 $0xFFFF  }
0x77: {  	[sflag:s0] =	ssyncadd.tile.s32 @!p0 $0x1;
	_ =	shalt  }
.Lfunc_end2:
_tile_overlayer_lowered:
.L_overlay_start_2:
0x78: {  	(tag) =	ssettag $0x2  }
0x79: {  	s0 =	rddreg [dreg:$0x0];
	s2 =	stileid.u32  }
0x7a: {  	s1 =	rddreg [dreg:$0x1];
	p0 =	sne.s32 s2, $0x0  }
0x7b: {  	s3 =	rddreg [dreg:$0x2];
	[bflag:$0x3] =	sbarrier.arrive $0xFFFF;
	s2 =	simm.s32 @!p0 $0x1C03  }
0x7c: {  	[timem:s3], [sflag:s2] =	dma.local @!p0 [hbm:s0], s1  }
0x7d: {  	s0 =	simm.s32 @!p0 $0x3  }
0x7e: {  	_ =	swait.ge @!p0 [sflag:s0], s1  }
0x7f: {  	s1 =	ssub.s32 @!p0 $0x0, s1;
	[sflag:s0] =	ssyncset.done @!p0 $0x0  }
0x80: {  	[sflag:s0] =	ssyncadd.s32 @!p0 s1  }
0x81: {  	[bflag:$0x3] =	sbarrier.arrive $0xFFFF  }
0x82: {  	_ =	shalt  }

</sc_bundles>
